<compile_context>
chip_gen: v7x
topology: tpu7x:2x2x1
jax: 0.10.2.dev20260603
libtpu: 0.0.44.dev20260713+nightly
codegen_flags: <defaults>
</compile_context>

<pallas_src>
import functools

import jax
import jax.numpy as jnp
from jax import lax
from jax.experimental import pallas as pl
from jax.experimental.pallas import tpu as pltpu
from jax.experimental.pallas import tpu_sc as plsc

NC = 2
NS = 16
NW = NC * NS
L = 16

_SC_PARAMS = pltpu.CompilerParams(
    needs_layout_passes=False, use_tc_tiling_on_sc=False)


def _tc_scalars_body(n_pad, x_ref, ei_ref, wl_ref, wr_ref, wf1_ref,
                     wout_ref, bs_ref, bf1_ref, bo_ref,
                     gl1_ref, gl2_ref, gr1_ref, gr2_ref, src_ref, dst_ref):
    hp = lax.Precision.HIGHEST
    dot = functools.partial(lax.dot_general, precision=hp,
                            preferred_element_type=jnp.float32)
    a = dot(wf1_ref[...], wout_ref[...], (((1,), (0,)), ((), ())))
    a1 = a[:128, :]
    a2 = a[128:, :]
    p1 = dot(wl_ref[...], a1, (((1,), (0,)), ((), ())))
    p2 = dot(wl_ref[...], a2, (((1,), (0,)), ((), ())))
    q1 = dot(wr_ref[...], a1, (((1,), (0,)), ((), ())))
    q2 = dot(wr_ref[...], a2, (((1,), (0,)), ((), ())))
    pmat = jnp.concatenate([p1, p2, q1, q2], axis=1)
    x = x_ref[...]
    n = x.shape[0]
    if n < n_pad:
        x = jnp.concatenate(
            [x, jnp.zeros((n_pad - n, x.shape[1]), jnp.float32)], axis=0)
    gt = dot(pmat, x, (((0,), (1,)), ((), ())))
    cu = (dot(bs_ref[...], a1, (((1,), (0,)), ((), ())))[0, 0]
          + dot(bf1_ref[...], wout_ref[...], (((1,), (0,)), ((), ())))[0, 0]
          + bo_ref[0, 0])
    cv = dot(bs_ref[...], a2, (((1,), (0,)), ((), ())))[0, 0]
    gl1_ref[...] = gt[0, :]
    gl2_ref[...] = gt[1, :]
    gr1_ref[...] = gt[2, :] + cu
    gr2_ref[...] = gt[3, :] + cv
    src_ref[...] = ei_ref[0, :]
    dst_ref[...] = ei_ref[1, :]


def _make_tc_scalars(n_pad, n_edges):
    return pl.pallas_call(
        functools.partial(_tc_scalars_body, n_pad),
        out_shape=[jax.ShapeDtypeStruct((n_pad,), jnp.float32)] * 4
        + [jax.ShapeDtypeStruct((n_edges,), jnp.int32)] * 2,
    )


def _make_scatter(e_per_w, n_pad):
    n_sl = n_pad // NS
    mesh = plsc.VectorSubcoreMesh(core_axis_name="c", subcore_axis_name="s")

    @functools.partial(
        pl.kernel, mesh=mesh,
        compiler_params=_SC_PARAMS,
        out_type=jax.ShapeDtypeStruct((2 * 3, n_pad), jnp.float32),
        scratch_types=[
            pltpu.VMEM((e_per_w,), jnp.int32),
            pltpu.VMEM((e_per_w,), jnp.int32),
            pltpu.VMEM((n_pad,), jnp.float32),
            pltpu.VMEM((n_pad,), jnp.float32),
            pltpu.VMEM((n_pad,), jnp.float32),
            pltpu.VMEM((n_pad,), jnp.float32),
            pltpu.VMEM((n_pad,), jnp.float32),
            pltpu.VMEM((NS, n_sl), jnp.float32),
            pltpu.VMEM((n_sl,), jnp.float32),
            pltpu.MemorySpace.VMEM_SHARED((3, NS, n_pad), jnp.float32),
        ],
    )
    def scatter_kernel(src_hbm, dst_hbm, gl1_hbm, gl2_hbm, part_out,
                       src_v, dst_v, gl1_v, gl2_v, s1_v, s2_v, cnt_v,
                       stage_v, red_v, sh):
        cid = lax.axis_index("c")
        tid = lax.axis_index("s")
        wid = tid * NC + cid
        base = wid * e_per_w
        pltpu.sync_copy(src_hbm.at[pl.ds(base, e_per_w)], src_v)
        pltpu.sync_copy(dst_hbm.at[pl.ds(base, e_per_w)], dst_v)
        pltpu.sync_copy(gl1_hbm, gl1_v)
        pltpu.sync_copy(gl2_hbm, gl2_v)
        zeros = jnp.zeros((L,), jnp.float32)

        @plsc.parallel_loop(0, n_pad // L, unroll=8)
        def _(i):
            sl = pl.ds(i * L, L)
            s1_v[sl] = zeros
            s2_v[sl] = zeros
            cnt_v[sl] = zeros

        ones = jnp.full((L,), 1.0, jnp.float32)

        @plsc.parallel_loop(0, e_per_w // L, unroll=8)
        def _(i):
            sv = src_v[pl.ds(i * L, L)]
            dv = dst_v[pl.ds(i * L, L)]
            g1 = plsc.load_gather(gl1_v, [sv])
            g2 = plsc.load_gather(gl2_v, [sv])
            plsc.addupdate_scatter(s1_v, [dv], g1)
            plsc.addupdate_scatter(s2_v, [dv], g2)
            plsc.addupdate_scatter(cnt_v, [dv], ones)

        pltpu.sync_copy(s1_v, sh.at[0, tid])
        pltpu.sync_copy(s2_v, sh.at[1, tid])
        pltpu.sync_copy(cnt_v, sh.at[2, tid])
        plsc.subcore_barrier()

        col = tid * n_sl
        for arr in range(3):
            pltpu.sync_copy(sh.at[arr, :, pl.ds(col, n_sl)], stage_v)

            @plsc.parallel_loop(0, n_sl // L, unroll=2)
            def _(i):
                sl = pl.ds(i * L, L)
                acc = stage_v[0, sl]
                for t in range(1, NS):
                    acc = acc + stage_v[t, sl]
                red_v[sl] = acc

            pltpu.sync_copy(red_v, part_out.at[cid * 3 + arr, pl.ds(col, n_sl)])

    return scatter_kernel


def _make_uv_gather(e_per_w, n_pad, n_edges):
    n_sl = n_pad // NS
    mesh = plsc.VectorSubcoreMesh(core_axis_name="c", subcore_axis_name="s")

    @functools.partial(
        pl.kernel, mesh=mesh,
        compiler_params=_SC_PARAMS,
        out_type=jax.ShapeDtypeStruct((n_edges,), jnp.float32),
        scratch_types=[
            pltpu.VMEM((6, n_sl), jnp.float32),
            pltpu.VMEM((n_sl,), jnp.float32),
            pltpu.VMEM((n_sl,), jnp.float32),
            pltpu.VMEM((n_sl,), jnp.float32),
            pltpu.VMEM((n_sl,), jnp.float32),
            pltpu.VMEM((e_per_w,), jnp.int32),
            pltpu.VMEM((e_per_w,), jnp.int32),
            pltpu.VMEM((n_pad,), jnp.float32),
            pltpu.VMEM((n_pad,), jnp.float32),
            pltpu.VMEM((e_per_w,), jnp.float32),
            pltpu.MemorySpace.VMEM_SHARED((2, n_pad), jnp.float32),
        ],
    )
    def uv_gather_kernel(part_hbm, gr1_hbm, gr2_hbm, src_hbm, dst_hbm, out_hbm,
                         part_v, gu_v, gv_v, u_t, v_t, src_v, dst_v, u_v, v_v,
                         o_v, sh_uv):
        cid = lax.axis_index("c")
        tid = lax.axis_index("s")
        wid = tid * NC + cid
        col = tid * n_sl
        pltpu.sync_copy(part_hbm.at[:, pl.ds(col, n_sl)], part_v)
        pltpu.sync_copy(gr1_hbm.at[pl.ds(col, n_sl)], gu_v)
        pltpu.sync_copy(gr2_hbm.at[pl.ds(col, n_sl)], gv_v)

        @plsc.parallel_loop(0, n_sl // L, unroll=2)
        def _(i):
            sl = pl.ds(i * L, L)
            den = jnp.maximum(part_v[2, sl] + part_v[5, sl], 1.0)
            u_t[sl] = (part_v[0, sl] + part_v[3, sl]) / den + gu_v[sl]
            v_t[sl] = (part_v[1, sl] + part_v[4, sl]) / den + gv_v[sl]

        pltpu.sync_copy(u_t, sh_uv.at[0, pl.ds(col, n_sl)])
        pltpu.sync_copy(v_t, sh_uv.at[1, pl.ds(col, n_sl)])
        plsc.subcore_barrier()

        pltpu.sync_copy(sh_uv.at[0], u_v)
        pltpu.sync_copy(sh_uv.at[1], v_v)
        base = wid * e_per_w
        pltpu.sync_copy(src_hbm.at[pl.ds(base, e_per_w)], src_v)
        pltpu.sync_copy(dst_hbm.at[pl.ds(base, e_per_w)], dst_v)

        @plsc.parallel_loop(0, e_per_w // L, unroll=8)
        def _(i):
            sl = pl.ds(i * L, L)
            gu = plsc.load_gather(u_v, [src_v[sl]])
            gv = plsc.load_gather(v_v, [dst_v[sl]])
            o_v[sl] = gu + gv

        pltpu.sync_copy(o_v, out_hbm.at[pl.ds(base, e_per_w)])

    return uv_gather_kernel


def kernel(x, edge_index, Wl, Wr, b_sage, Wf1, bf1, Wout, bout):
    n, d = x.shape
    n_edges = edge_index.shape[1]
    n_pad = ((n + NW * L - 1) // (NW * L)) * (NW * L)
    e_per_w = n_edges // NW
    assert e_per_w * NW == n_edges and e_per_w % L == 0

    x_pad = x if n == n_pad else jnp.pad(x, ((0, n_pad - n), (0, 0)))
    gl1, gl2, gr1, gr2, src, dst = _make_tc_scalars(n_pad, n_edges)(
        x_pad, edge_index, Wl, Wr, Wf1, Wout,
        b_sage.reshape(1, -1), bf1.reshape(1, -1), bout.reshape(1, 1))

    part = _make_scatter(e_per_w, n_pad)(src, dst, gl1, gl2)
    out = _make_uv_gather(e_per_w, n_pad, n_edges)(part, gr1, gr2, src, dst)
    return out.reshape(n_edges, 1)

# --- scband reference (transcript-rebuilt; emitter-appended) ---
"""Pipeline reference for scband-graph-sagemodel-36197984370745 (READ-ONLY COPY).

The authoritative reference and input builder live on the scoring server;
editing this copy changes nothing except your own understanding.
"""

import jax, jax.numpy as jnp
import numpy as np

N = 10000
E = 320000
D = 128

def _glorot(key, shape):
    fan_in = shape[0]
    return jax.random.normal(key, shape, dtype=jnp.float32) * (1.0 / np.sqrt(fan_in))

def setup_inputs(seed: int = 0):
    key = jax.random.key(seed)
    ks = jax.random.split(key, 8)
    x = jax.random.normal(ks[0], (N, D), dtype=jnp.float32)
    edge_index = jax.random.randint(ks[1], (2, E), 0, N, dtype=jnp.int32)
    Wl = _glorot(ks[2], (D, 128))      # SAGEConv lin_l (aggregated neighbors), has bias
    Wr = _glorot(ks[3], (D, 128))      # SAGEConv lin_r (root), no bias in PyG
    b_sage = jnp.zeros((128,), jnp.float32)
    Wf1 = _glorot(ks[4], (256, 64))    # fc_net[0]: Linear(2*128 -> 64)
    bf1 = jnp.zeros((64,), jnp.float32)
    Wout = _glorot(ks[5], (64, 1))     # fc_out: Linear(64 -> 1)
    bout = jnp.zeros((1,), jnp.float32)
    return {"x": x, "edge_index": edge_index, "Wl": Wl, "Wr": Wr, "b_sage": b_sage,
            "Wf1": Wf1, "bf1": bf1, "Wout": Wout, "bout": bout}

def _act(v):
    # nn.LeakyReLU(negative_slope=1) is the identity, but kept for faithfulness
    return jax.nn.leaky_relu(v, negative_slope=1.0)

def _sage_conv(x, src, dst, Wl, Wr, b, n_nodes):
    # PyG SAGEConv, aggr='mean', flow source_to_target: aggregate x[src] at dst
    msgs = jnp.take(x, src, axis=0)
    s = jax.ops.segment_sum(msgs, dst, num_segments=n_nodes)
    cnt = jax.ops.segment_sum(jnp.ones((src.shape[0], 1), x.dtype), dst, num_segments=n_nodes)
    mean = s / jnp.clip(cnt, 1.0, None)
    return mean @ Wl + b + x @ Wr

def reference(x, edge_index, Wl, Wr, b_sage, Wf1, bf1, Wout, bout):
    src = edge_index[0]
    dst = edge_index[1]
    # node_repr computed in the torch forward; unused since rescon_mode=False
    node_repr = jnp.concatenate([jnp.take(x, src, axis=0), jnp.take(x, dst, axis=0)], axis=-1)
    h = _act(_sage_conv(x, src, dst, Wl, Wr, b_sage, x.shape[0]))
    # prod_mode=False -> concat of endpoint embeddings
    conv_node_repr = jnp.concatenate([jnp.take(h, src, axis=0), jnp.take(h, dst, axis=0)], axis=-1)
    e = _act(conv_node_repr @ Wf1 + bf1)
    out = e @ Wout + bout
    return out

if __name__ == "__main__":
    import jax
    _d = setup_inputs()
    print(jax.jit(kernel)(*tuple(_d.values())))

</pallas_src>

<mosaic_0001>
#map = affine_map<(d0, d1) -> (0, 0)>
#map1 = affine_map<(d0, d1) -> (0)>
module attributes {stable_mosaic.version = 14 : i64} {
  func.func @uv_gather_kernel(%arg0: i32, %arg1: i32, %arg2: memref<6x10240xf32, #tpu.memory_space<hbm>>, %arg3: memref<10240xf32, #tpu.memory_space<hbm>>, %arg4: memref<10240xf32, #tpu.memory_space<hbm>>, %arg5: memref<320000xi32, #tpu.memory_space<hbm>>, %arg6: memref<320000xi32, #tpu.memory_space<hbm>>, %arg7: memref<320000xf32, #tpu.memory_space<hbm>>, %arg8: memref<6x640xf32, #tpu.memory_space<vmem>>, %arg9: memref<640xf32, #tpu.memory_space<vmem>>, %arg10: memref<640xf32, #tpu.memory_space<vmem>>, %arg11: memref<640xf32, #tpu.memory_space<vmem>>, %arg12: memref<640xf32, #tpu.memory_space<vmem>>, %arg13: memref<10000xi32, #tpu.memory_space<vmem>>, %arg14: memref<10000xi32, #tpu.memory_space<vmem>>, %arg15: memref<10240xf32, #tpu.memory_space<vmem>>, %arg16: memref<10240xf32, #tpu.memory_space<vmem>>, %arg17: memref<10000xf32, #tpu.memory_space<vmem>>, %arg18: memref<2x10240xf32, #tpu.memory_space<vmem_shared>>) attributes {dimension_semantics = [#tpu.dimension_semantics<core_parallel>, #tpu.dimension_semantics<subcore_parallel>], iteration_bounds = array<i64: 2, 16>, scalar_prefetch = 0 : i64, scratch_operands = 11 : i64, tpu.core_type = #tpu.core_type<sc_vector_subcore>, window_params = [{transform_indices = #map}, {transform_indices = #map1}, {transform_indices = #map1}, {transform_indices = #map1}, {transform_indices = #map1}, {transform_indices = #map1}]} {
    %mul3A = arith.constant 2 : i32
    %mul3A_0 = arith.muli %arg1, %mul3A : i32
    %add3A = arith.addi %mul3A_0, %arg0 : i32
    %mul3A_1 = arith.constant 640 : i32
    %mul3A_2 = arith.muli %arg1, %mul3A_1 : i32
    "tpu.region"() ({
      %run_scoped3A_13 = tpu.sem_alloc : memref<!tpu.dma_semaphore, #tpu.memory_space<semaphore_mem>>
      %dma_start3A = arith.constant 0 : i32
      %dma_start3A_14 = tpu.memref_slice %arg2[%dma_start3A, %mul3A_2] : memref<6x10240xf32, #tpu.memory_space<hbm>> -> memref<6x640xf32, #tpu.memory_space<hbm>>
      %dma_start3A_15 = arith.constant 0 : i32
      %dma_start3A_16 = tpu.memref_slice %arg2[%dma_start3A_15, %mul3A_2] : memref<6x10240xf32, #tpu.memory_space<hbm>> -> memref<6x640xf32, #tpu.memory_space<hbm>>
      tpu.enqueue_dma source(%dma_start3A_16 : memref<6x640xf32, #tpu.memory_space<hbm>>) target(%arg8 : memref<6x640xf32, #tpu.memory_space<vmem>>) target_semaphore(%run_scoped3A_13 : memref<!tpu.dma_semaphore, #tpu.memory_space<semaphore_mem>>)
      %dma_wait3A = arith.constant 0 : i32
      %dma_wait3A_17 = tpu.memref_slice %arg2[%dma_wait3A, %mul3A_2] : memref<6x10240xf32, #tpu.memory_space<hbm>> -> memref<6x640xf32, #tpu.memory_space<hbm>>
      %dma_wait3A_18 = arith.constant 0 : i32
      %dma_wait3A_19 = tpu.memref_slice %arg2[%dma_wait3A_18, %mul3A_2] : memref<6x10240xf32, #tpu.memory_space<hbm>> -> memref<6x640xf32, #tpu.memory_space<hbm>>
      tpu.wait_dma2 semaphore(%run_scoped3A_13 : memref<!tpu.dma_semaphore, #tpu.memory_space<semaphore_mem>>) src(%dma_wait3A_19 : memref<6x640xf32, #tpu.memory_space<hbm>>) dst(%arg8 : memref<6x640xf32, #tpu.memory_space<vmem>>)
      tpu.yield
    }) : () -> ()
    "tpu.region"() ({
      %run_scoped3A_13 = tpu.sem_alloc : memref<!tpu.dma_semaphore, #tpu.memory_space<semaphore_mem>>
      %dma_start3A = tpu.memref_slice %arg3[%mul3A_2] : memref<10240xf32, #tpu.memory_space<hbm>> -> memref<640xf32, #tpu.memory_space<hbm>>
      %dma_start3A_14 = tpu.memref_slice %arg3[%mul3A_2] : memref<10240xf32, #tpu.memory_space<hbm>> -> memref<640xf32, #tpu.memory_space<hbm>>
      tpu.enqueue_dma source(%dma_start3A_14 : memref<640xf32, #tpu.memory_space<hbm>>) target(%arg9 : memref<640xf32, #tpu.memory_space<vmem>>) target_semaphore(%run_scoped3A_13 : memref<!tpu.dma_semaphore, #tpu.memory_space<semaphore_mem>>)
      %dma_wait3A = tpu.memref_slice %arg3[%mul3A_2] : memref<10240xf32, #tpu.memory_space<hbm>> -> memref<640xf32, #tpu.memory_space<hbm>>
      %dma_wait3A_15 = tpu.memref_slice %arg3[%mul3A_2] : memref<10240xf32, #tpu.memory_space<hbm>> -> memref<640xf32, #tpu.memory_space<hbm>>
      tpu.wait_dma2 semaphore(%run_scoped3A_13 : memref<!tpu.dma_semaphore, #tpu.memory_space<semaphore_mem>>) src(%dma_wait3A_15 : memref<640xf32, #tpu.memory_space<hbm>>) dst(%arg9 : memref<640xf32, #tpu.memory_space<vmem>>)
      tpu.yield
    }) : () -> ()
    "tpu.region"() ({
      %run_scoped3A_13 = tpu.sem_alloc : memref<!tpu.dma_semaphore, #tpu.memory_space<semaphore_mem>>
      %dma_start3A = tpu.memref_slice %arg4[%mul3A_2] : memref<10240xf32, #tpu.memory_space<hbm>> -> memref<640xf32, #tpu.memory_space<hbm>>
      %dma_start3A_14 = tpu.memref_slice %arg4[%mul3A_2] : memref<10240xf32, #tpu.memory_space<hbm>> -> memref<640xf32, #tpu.memory_space<hbm>>
      tpu.enqueue_dma source(%dma_start3A_14 : memref<640xf32, #tpu.memory_space<hbm>>) target(%arg10 : memref<640xf32, #tpu.memory_space<vmem>>) target_semaphore(%run_scoped3A_13 : memref<!tpu.dma_semaphore, #tpu.memory_space<semaphore_mem>>)
      %dma_wait3A = tpu.memref_slice %arg4[%mul3A_2] : memref<10240xf32, #tpu.memory_space<hbm>> -> memref<640xf32, #tpu.memory_space<hbm>>
      %dma_wait3A_15 = tpu.memref_slice %arg4[%mul3A_2] : memref<10240xf32, #tpu.memory_space<hbm>> -> memref<640xf32, #tpu.memory_space<hbm>>
      tpu.wait_dma2 semaphore(%run_scoped3A_13 : memref<!tpu.dma_semaphore, #tpu.memory_space<semaphore_mem>>) src(%dma_wait3A_15 : memref<640xf32, #tpu.memory_space<hbm>>) dst(%arg10 : memref<640xf32, #tpu.memory_space<vmem>>)
      tpu.yield
    }) : () -> ()
    %parallel_loop3A = arith.constant 0 : i32
    %parallel_loop3A_3 = arith.constant 40 : i32
    %parallel_loop3A_4 = arith.constant 1 : i32
    scf.for %parallel_loop3A_13 = %parallel_loop3A to %parallel_loop3A_3 step %parallel_loop3A_4  : i32 {
      %parallel_loop3A_14 = arith.constant 16 : i32
      %parallel_loop3A_15 = arith.muli %parallel_loop3A_13, %parallel_loop3A_14 : i32
      %parallel_loop3A_16 = arith.constant 2 : i32
      %parallel_loop3A_17 = arith.index_cast %parallel_loop3A_16 : i32 to index
      %parallel_loop3A_18 = arith.index_cast %parallel_loop3A_15 : i32 to index
      %parallel_loop3A_19 = tpu.vector_load %arg8[%parallel_loop3A_17, %parallel_loop3A_18] {strides = array<i32>} : memref<6x640xf32, #tpu.memory_space<vmem>>, vector<16xf32>,
      %parallel_loop3A_20 = arith.constant 5 : i32
      %parallel_loop3A_21 = arith.index_cast %parallel_loop3A_20 : i32 to index
      %parallel_loop3A_22 = arith.index_cast %parallel_loop3A_15 : i32 to index
      %parallel_loop3A_23 = tpu.vector_load %arg8[%parallel_loop3A_21, %parallel_loop3A_22] {strides = array<i32>} : memref<6x640xf32, #tpu.memory_space<vmem>>, vector<16xf32>,
      %parallel_loop3A_24 = arith.addf %parallel_loop3A_19, %parallel_loop3A_23 : vector<16xf32>
      %parallel_loop3A_25 = arith.constant 1.000000e+00 : f32
      %parallel_loop3A_26 = vector.broadcast %parallel_loop3A_25 : f32 to vector<16xf32>
      %parallel_loop3A_27 = arith.maximumf %parallel_loop3A_24, %parallel_loop3A_26 : vector<16xf32>
      %parallel_loop3A_28 = arith.constant 0 : i32
      %parallel_loop3A_29 = arith.index_cast %parallel_loop3A_28 : i32 to index
      %parallel_loop3A_30 = arith.index_cast %parallel_loop3A_15 : i32 to index
      %parallel_loop3A_31 = tpu.vector_load %arg8[%parallel_loop3A_29, %parallel_loop3A_30] {strides = array<i32>} : memref<6x640xf32, #tpu.memory_space<vmem>>, vector<16xf32>,
      %parallel_loop3A_32 = arith.constant 3 : i32
      %parallel_loop3A_33 = arith.index_cast %parallel_loop3A_32 : i32 to index
      %parallel_loop3A_34 = arith.index_cast %parallel_loop3A_15 : i32 to index
      %parallel_loop3A_35 = tpu.vector_load %arg8[%parallel_loop3A_33, %parallel_loop3A_34] {strides = array<i32>} : memref<6x640xf32, #tpu.memory_space<vmem>>, vector<16xf32>,
      %parallel_loop3A_36 = arith.addf %parallel_loop3A_31, %parallel_loop3A_35 : vector<16xf32>
      %parallel_loop3A_37 = arith.divf %parallel_loop3A_36, %parallel_loop3A_27 : vector<16xf32>
      %parallel_loop3A_38 = arith.index_cast %parallel_loop3A_15 : i32 to index
      %parallel_loop3A_39 = tpu.vector_load %arg9[%parallel_loop3A_38] {strides = array<i32>} : memref<640xf32, #tpu.memory_space<vmem>>, vector<16xf32>,
      %parallel_loop3A_40 = arith.addf %parallel_loop3A_37, %parallel_loop3A_39 : vector<16xf32>
      %parallel_loop3A_41 = arith.index_cast %parallel_loop3A_15 : i32 to index
      %parallel_loop3A_42 = tpu.vector_load %arg11[%parallel_loop3A_41] {strides = array<i32>} : memref<640xf32, #tpu.memory_space<vmem>>, vector<16xf32>,
      tpu.vector_store %arg11[%parallel_loop3A_41], %parallel_loop3A_40 {strides = array<i32>} : memref<640xf32, #tpu.memory_space<vmem>>, vector<16xf32>,
      %parallel_loop3A_43 = arith.constant 1 : i32
      %parallel_loop3A_44 = arith.index_cast %parallel_loop3A_43 : i32 to index
      %parallel_loop3A_45 = arith.index_cast %parallel_loop3A_15 : i32 to index
      %parallel_loop3A_46 = tpu.vector_load %arg8[%parallel_loop3A_44, %parallel_loop3A_45] {strides = array<i32>} : memref<6x640xf32, #tpu.memory_space<vmem>>, vector<16xf32>,
      %parallel_loop3A_47 = arith.constant 4 : i32
      %parallel_loop3A_48 = arith.index_cast %parallel_loop3A_47 : i32 to index
      %parallel_loop3A_49 = arith.index_cast %parallel_loop3A_15 : i32 to index
      %parallel_loop3A_50 = tpu.vector_load %arg8[%parallel_loop3A_48, %parallel_loop3A_49] {strides = array<i32>} : memref<6x640xf32, #tpu.memory_space<vmem>>, vector<16xf32>,
      %parallel_loop3A_51 = arith.addf %parallel_loop3A_46, %parallel_loop3A_50 : vector<16xf32>
      %parallel_loop3A_52 = arith.divf %parallel_loop3A_51, %parallel_loop3A_27 : vector<16xf32>
      %parallel_loop3A_53 = arith.index_cast %parallel_loop3A_15 : i32 to index
      %parallel_loop3A_54 = tpu.vector_load %arg10[%parallel_loop3A_53] {strides = array<i32>} : memref<640xf32, #tpu.memory_space<vmem>>, vector<16xf32>,
      %parallel_loop3A_55 = arith.addf %parallel_loop3A_52, %parallel_loop3A_54 : vector<16xf32>
      %parallel_loop3A_56 = arith.index_cast %parallel_loop3A_15 : i32 to index
      %parallel_loop3A_57 = tpu.vector_load %arg12[%parallel_loop3A_56] {strides = array<i32>} : memref<640xf32, #tpu.memory_space<vmem>>, vector<16xf32>,
      tpu.vector_store %arg12[%parallel_loop3A_56], %parallel_loop3A_55 {strides = array<i32>} : memref<640xf32, #tpu.memory_space<vmem>>, vector<16xf32>,
    } {sc.loop_unroll_factor = 2 : i64, sc.parallel_access}
    %run_scoped3A = arith.constant 0 : i32
    "tpu.region"() ({
      %run_scoped3A_13 = tpu.sem_alloc : memref<!tpu.dma_semaphore, #tpu.memory_space<semaphore_mem>>
      %dma_start3A = tpu.memref_slice %arg18[%run_scoped3A, %mul3A_2] : memref<2x10240xf32, #tpu.memory_space<vmem_shared>> -> memref<1x640xf32, #tpu.memory_space<vmem_shared>>
      %dma_start3A_14 = tpu.memref_squeeze %dma_start3A : memref<1x640xf32, #tpu.memory_space<vmem_shared>> -> memref<640xf32, #tpu.memory_space<vmem_shared>>
      %dma_start3A_15 = tpu.memref_slice %arg18[%run_scoped3A, %mul3A_2] : memref<2x10240xf32, #tpu.memory_space<vmem_shared>> -> memref<1x640xf32, #tpu.memory_space<vmem_shared>>
      %dma_start3A_16 = tpu.memref_squeeze %dma_start3A_15 : memref<1x640xf32, #tpu.memory_space<vmem_shared>> -> memref<640xf32, #tpu.memory_space<vmem_shared>>
      tpu.enqueue_dma source(%arg11 : memref<640xf32, #tpu.memory_space<vmem>>) target(%dma_start3A_16 : memref<640xf32, #tpu.memory_space<vmem_shared>>) target_semaphore(%run_scoped3A_13 : memref<!tpu.dma_semaphore, #tpu.memory_space<semaphore_mem>>)
      %dma_wait3A = tpu.memref_slice %arg18[%run_scoped3A, %mul3A_2] : memref<2x10240xf32, #tpu.memory_space<vmem_shared>> -> memref<1x640xf32, #tpu.memory_space<vmem_shared>>
      %dma_wait3A_17 = tpu.memref_squeeze %dma_wait3A : memref<1x640xf32, #tpu.memory_space<vmem_shared>> -> memref<640xf32, #tpu.memory_space<vmem_shared>>
      %dma_wait3A_18 = tpu.memref_slice %arg18[%run_scoped3A, %mul3A_2] : memref<2x10240xf32, #tpu.memory_space<vmem_shared>> -> memref<1x640xf32, #tpu.memory_space<vmem_shared>>
      %dma_wait3A_19 = tpu.memref_squeeze %dma_wait3A_18 : memref<1x640xf32, #tpu.memory_space<vmem_shared>> -> memref<640xf32, #tpu.memory_space<vmem_shared>>
      tpu.wait_dma2 semaphore(%run_scoped3A_13 : memref<!tpu.dma_semaphore, #tpu.memory_space<semaphore_mem>>) src(%arg11 : memref<640xf32, #tpu.memory_space<vmem>>) dst(%dma_wait3A_19 : memref<640xf32, #tpu.memory_space<vmem_shared>>)
      tpu.yield
    }) : () -> ()
    %run_scoped3A_5 = arith.constant 1 : i32
    "tpu.region"() ({
      %run_scoped3A_13 = tpu.sem_alloc : memref<!tpu.dma_semaphore, #tpu.memory_space<semaphore_mem>>
      %dma_start3A = tpu.memref_slice %arg18[%run_scoped3A_5, %mul3A_2] : memref<2x10240xf32, #tpu.memory_space<vmem_shared>> -> memref<1x640xf32, #tpu.memory_space<vmem_shared>>
      %dma_start3A_14 = tpu.memref_squeeze %dma_start3A : memref<1x640xf32, #tpu.memory_space<vmem_shared>> -> memref<640xf32, #tpu.memory_space<vmem_shared>>
      %dma_start3A_15 = tpu.memref_slice %arg18[%run_scoped3A_5, %mul3A_2] : memref<2x10240xf32, #tpu.memory_space<vmem_shared>> -> memref<1x640xf32, #tpu.memory_space<vmem_shared>>
      %dma_start3A_16 = tpu.memref_squeeze %dma_start3A_15 : memref<1x640xf32, #tpu.memory_space<vmem_shared>> -> memref<640xf32, #tpu.memory_space<vmem_shared>>
      tpu.enqueue_dma source(%arg12 : memref<640xf32, #tpu.memory_space<vmem>>) target(%dma_start3A_16 : memref<640xf32, #tpu.memory_space<vmem_shared>>) target_semaphore(%run_scoped3A_13 : memref<!tpu.dma_semaphore, #tpu.memory_space<semaphore_mem>>)
      %dma_wait3A = tpu.memref_slice %arg18[%run_scoped3A_5, %mul3A_2] : memref<2x10240xf32, #tpu.memory_space<vmem_shared>> -> memref<1x640xf32, #tpu.memory_space<vmem_shared>>
      %dma_wait3A_17 = tpu.memref_squeeze %dma_wait3A : memref<1x640xf32, #tpu.memory_space<vmem_shared>> -> memref<640xf32, #tpu.memory_space<vmem_shared>>
      %dma_wait3A_18 = tpu.memref_slice %arg18[%run_scoped3A_5, %mul3A_2] : memref<2x10240xf32, #tpu.memory_space<vmem_shared>> -> memref<1x640xf32, #tpu.memory_space<vmem_shared>>
      %dma_wait3A_19 = tpu.memref_squeeze %dma_wait3A_18 : memref<1x640xf32, #tpu.memory_space<vmem_shared>> -> memref<640xf32, #tpu.memory_space<vmem_shared>>
      tpu.wait_dma2 semaphore(%run_scoped3A_13 : memref<!tpu.dma_semaphore, #tpu.memory_space<semaphore_mem>>) src(%arg12 : memref<640xf32, #tpu.memory_space<vmem>>) dst(%dma_wait3A_19 : memref<640xf32, #tpu.memory_space<vmem_shared>>)
      tpu.yield
    }) : () -> ()
    %barrier3A = arith.constant 0 : index
    tpu.barrier barrier_id(%barrier3A)
    %run_scoped3A_6 = arith.constant 0 : i32
    "tpu.region"() ({
      %run_scoped3A_13 = tpu.sem_alloc : memref<!tpu.dma_semaphore, #tpu.memory_space<semaphore_mem>>
      %dma_start3A = arith.constant 0 : i32
      %dma_start3A_14 = tpu.memref_slice %arg18[%run_scoped3A_6, %dma_start3A] : memref<2x10240xf32, #tpu.memory_space<vmem_shared>> -> memref<1x10240xf32, #tpu.memory_space<vmem_shared>>
      %dma_start3A_15 = tpu.memref_squeeze %dma_start3A_14 : memref<1x10240xf32, #tpu.memory_space<vmem_shared>> -> memref<10240xf32, #tpu.memory_space<vmem_shared>>
      %dma_start3A_16 = arith.constant 0 : i32
      %dma_start3A_17 = tpu.memref_slice %arg18[%run_scoped3A_6, %dma_start3A_16] : memref<2x10240xf32, #tpu.memory_space<vmem_shared>> -> memref<1x10240xf32, #tpu.memory_space<vmem_shared>>
      %dma_start3A_18 = tpu.memref_squeeze %dma_start3A_17 : memref<1x10240xf32, #tpu.memory_space<vmem_shared>> -> memref<10240xf32, #tpu.memory_space<vmem_shared>>
      tpu.enqueue_dma source(%dma_start3A_18 : memref<10240xf32, #tpu.memory_space<vmem_shared>>) target(%arg15 : memref<10240xf32, #tpu.memory_space<vmem>>) target_semaphore(%run_scoped3A_13 : memref<!tpu.dma_semaphore, #tpu.memory_space<semaphore_mem>>)
      %dma_wait3A = arith.constant 0 : i32
      %dma_wait3A_19 = tpu.memref_slice %arg18[%run_scoped3A_6, %dma_wait3A] : memref<2x10240xf32, #tpu.memory_space<vmem_shared>> -> memref<1x10240xf32, #tpu.memory_space<vmem_shared>>
      %dma_wait3A_20 = tpu.memref_squeeze %dma_wait3A_19 : memref<1x10240xf32, #tpu.memory_space<vmem_shared>> -> memref<10240xf32, #tpu.memory_space<vmem_shared>>
      %dma_wait3A_21 = arith.constant 0 : i32
      %dma_wait3A_22 = tpu.memref_slice %arg18[%run_scoped3A_6, %dma_wait3A_21] : memref<2x10240xf32, #tpu.memory_space<vmem_shared>> -> memref<1x10240xf32, #tpu.memory_space<vmem_shared>>
      %dma_wait3A_23 = tpu.memref_squeeze %dma_wait3A_22 : memref<1x10240xf32, #tpu.memory_space<vmem_shared>> -> memref<10240xf32, #tpu.memory_space<vmem_shared>>
      tpu.wait_dma2 semaphore(%run_scoped3A_13 : memref<!tpu.dma_semaphore, #tpu.memory_space<semaphore_mem>>) src(%dma_wait3A_23 : memref<10240xf32, #tpu.memory_space<vmem_shared>>) dst(%arg15 : memref<10240xf32, #tpu.memory_space<vmem>>)
      tpu.yield
    }) : () -> ()
    %run_scoped3A_7 = arith.constant 1 : i32
    "tpu.region"() ({
      %run_scoped3A_13 = tpu.sem_alloc : memref<!tpu.dma_semaphore, #tpu.memory_space<semaphore_mem>>
      %dma_start3A = arith.constant 0 : i32
      %dma_start3A_14 = tpu.memref_slice %arg18[%run_scoped3A_7, %dma_start3A] : memref<2x10240xf32, #tpu.memory_space<vmem_shared>> -> memref<1x10240xf32, #tpu.memory_space<vmem_shared>>
      %dma_start3A_15 = tpu.memref_squeeze %dma_start3A_14 : memref<1x10240xf32, #tpu.memory_space<vmem_shared>> -> memref<10240xf32, #tpu.memory_space<vmem_shared>>
      %dma_start3A_16 = arith.constant 0 : i32
      %dma_start3A_17 = tpu.memref_slice %arg18[%run_scoped3A_7, %dma_start3A_16] : memref<2x10240xf32, #tpu.memory_space<vmem_shared>> -> memref<1x10240xf32, #tpu.memory_space<vmem_shared>>
      %dma_start3A_18 = tpu.memref_squeeze %dma_start3A_17 : memref<1x10240xf32, #tpu.memory_space<vmem_shared>> -> memref<10240xf32, #tpu.memory_space<vmem_shared>>
      tpu.enqueue_dma source(%dma_start3A_18 : memref<10240xf32, #tpu.memory_space<vmem_shared>>) target(%arg16 : memref<10240xf32, #tpu.memory_space<vmem>>) target_semaphore(%run_scoped3A_13 : memref<!tpu.dma_semaphore, #tpu.memory_space<semaphore_mem>>)
      %dma_wait3A = arith.constant 0 : i32
      %dma_wait3A_19 = tpu.memref_slice %arg18[%run_scoped3A_7, %dma_wait3A] : memref<2x10240xf32, #tpu.memory_space<vmem_shared>> -> memref<1x10240xf32, #tpu.memory_space<vmem_shared>>
      %dma_wait3A_20 = tpu.memref_squeeze %dma_wait3A_19 : memref<1x10240xf32, #tpu.memory_space<vmem_shared>> -> memref<10240xf32, #tpu.memory_space<vmem_shared>>
      %dma_wait3A_21 = arith.constant 0 : i32
      %dma_wait3A_22 = tpu.memref_slice %arg18[%run_scoped3A_7, %dma_wait3A_21] : memref<2x10240xf32, #tpu.memory_space<vmem_shared>> -> memref<1x10240xf32, #tpu.memory_space<vmem_shared>>
      %dma_wait3A_23 = tpu.memref_squeeze %dma_wait3A_22 : memref<1x10240xf32, #tpu.memory_space<vmem_shared>> -> memref<10240xf32, #tpu.memory_space<vmem_shared>>
      tpu.wait_dma2 semaphore(%run_scoped3A_13 : memref<!tpu.dma_semaphore, #tpu.memory_space<semaphore_mem>>) src(%dma_wait3A_23 : memref<10240xf32, #tpu.memory_space<vmem_shared>>) dst(%arg16 : memref<10240xf32, #tpu.memory_space<vmem>>)
      tpu.yield
    }) : () -> ()
    %mul3A_8 = arith.constant 10000 : i32
    %mul3A_9 = arith.muli %add3A, %mul3A_8 : i32
    "tpu.region"() ({
      %run_scoped3A_13 = tpu.sem_alloc : memref<!tpu.dma_semaphore, #tpu.memory_space<semaphore_mem>>
      %dma_start3A = tpu.memref_slice %arg5[%mul3A_9] : memref<320000xi32, #tpu.memory_space<hbm>> -> memref<10000xi32, #tpu.memory_space<hbm>>
      %dma_start3A_14 = tpu.memref_slice %arg5[%mul3A_9] : memref<320000xi32, #tpu.memory_space<hbm>> -> memref<10000xi32, #tpu.memory_space<hbm>>
      tpu.enqueue_dma source(%dma_start3A_14 : memref<10000xi32, #tpu.memory_space<hbm>>) target(%arg13 : memref<10000xi32, #tpu.memory_space<vmem>>) target_semaphore(%run_scoped3A_13 : memref<!tpu.dma_semaphore, #tpu.memory_space<semaphore_mem>>)
      %dma_wait3A = tpu.memref_slice %arg5[%mul3A_9] : memref<320000xi32, #tpu.memory_space<hbm>> -> memref<10000xi32, #tpu.memory_space<hbm>>
      %dma_wait3A_15 = tpu.memref_slice %arg5[%mul3A_9] : memref<320000xi32, #tpu.memory_space<hbm>> -> memref<10000xi32, #tpu.memory_space<hbm>>
      tpu.wait_dma2 semaphore(%run_scoped3A_13 : memref<!tpu.dma_semaphore, #tpu.memory_space<semaphore_mem>>) src(%dma_wait3A_15 : memref<10000xi32, #tpu.memory_space<hbm>>) dst(%arg13 : memref<10000xi32, #tpu.memory_space<vmem>>)
      tpu.yield
    }) : () -> ()
    "tpu.region"() ({
      %run_scoped3A_13 = tpu.sem_alloc : memref<!tpu.dma_semaphore, #tpu.memory_space<semaphore_mem>>
      %dma_start3A = tpu.memref_slice %arg6[%mul3A_9] : memref<320000xi32, #tpu.memory_space<hbm>> -> memref<10000xi32, #tpu.memory_space<hbm>>
      %dma_start3A_14 = tpu.memref_slice %arg6[%mul3A_9] : memref<320000xi32, #tpu.memory_space<hbm>> -> memref<10000xi32, #tpu.memory_space<hbm>>
      tpu.enqueue_dma source(%dma_start3A_14 : memref<10000xi32, #tpu.memory_space<hbm>>) target(%arg14 : memref<10000xi32, #tpu.memory_space<vmem>>) target_semaphore(%run_scoped3A_13 : memref<!tpu.dma_semaphore, #tpu.memory_space<semaphore_mem>>)
      %dma_wait3A = tpu.memref_slice %arg6[%mul3A_9] : memref<320000xi32, #tpu.memory_space<hbm>> -> memref<10000xi32, #tpu.memory_space<hbm>>
      %dma_wait3A_15 = tpu.memref_slice %arg6[%mul3A_9] : memref<320000xi32, #tpu.memory_space<hbm>> -> memref<10000xi32, #tpu.memory_space<hbm>>
      tpu.wait_dma2 semaphore(%run_scoped3A_13 : memref<!tpu.dma_semaphore, #tpu.memory_space<semaphore_mem>>) src(%dma_wait3A_15 : memref<10000xi32, #tpu.memory_space<hbm>>) dst(%arg14 : memref<10000xi32, #tpu.memory_space<vmem>>)
      tpu.yield
    }) : () -> ()
    %parallel_loop3A_10 = arith.constant 0 : i32
    %parallel_loop3A_11 = arith.constant 625 : i32
    %parallel_loop3A_12 = arith.constant 1 : i32
    scf.for %parallel_loop3A_13 = %parallel_loop3A_10 to %parallel_loop3A_11 step %parallel_loop3A_12  : i32 {
      %parallel_loop3A_14 = arith.constant 16 : i32
      %parallel_loop3A_15 = arith.muli %parallel_loop3A_13, %parallel_loop3A_14 : i32
      %parallel_loop3A_16 = arith.index_cast %parallel_loop3A_15 : i32 to index
      %parallel_loop3A_17 = tpu.vector_load %arg13[%parallel_loop3A_16] {strides = array<i32>} : memref<10000xi32, #tpu.memory_space<vmem>>, vector<16xi32>,
      %parallel_loop3A_18 = tpu.vector_load_idx %arg15[%parallel_loop3A_17] : memref<10240xf32, #tpu.memory_space<vmem>>[vector<16xi32>], vector<16xf32>,
      %parallel_loop3A_19 = arith.index_cast %parallel_loop3A_15 : i32 to index
      %parallel_loop3A_20 = tpu.vector_load %arg14[%parallel_loop3A_19] {strides = array<i32>} : memref<10000xi32, #tpu.memory_space<vmem>>, vector<16xi32>,
      %parallel_loop3A_21 = tpu.vector_load_idx %arg16[%parallel_loop3A_20] : memref<10240xf32, #tpu.memory_space<vmem>>[vector<16xi32>], vector<16xf32>,
      %parallel_loop3A_22 = arith.addf %parallel_loop3A_18, %parallel_loop3A_21 : vector<16xf32>
      %parallel_loop3A_23 = arith.index_cast %parallel_loop3A_15 : i32 to index
      %parallel_loop3A_24 = tpu.vector_load %arg17[%parallel_loop3A_23] {strides = array<i32>} : memref<10000xf32, #tpu.memory_space<vmem>>, vector<16xf32>,
      tpu.vector_store %arg17[%parallel_loop3A_23], %parallel_loop3A_22 {strides = array<i32>} : memref<10000xf32, #tpu.memory_space<vmem>>, vector<16xf32>,
    } {sc.loop_unroll_factor = 8 : i64, sc.parallel_access}
    "tpu.region"() ({
      %run_scoped3A_13 = tpu.sem_alloc : memref<!tpu.dma_semaphore, #tpu.memory_space<semaphore_mem>>
      %dma_start3A = tpu.memref_slice %arg7[%mul3A_9] : memref<320000xf32, #tpu.memory_space<hbm>> -> memref<10000xf32, #tpu.memory_space<hbm>>
      %dma_start3A_14 = tpu.memref_slice %arg7[%mul3A_9] : memref<320000xf32, #tpu.memory_space<hbm>> -> memref<10000xf32, #tpu.memory_space<hbm>>
      tpu.enqueue_dma source(%arg17 : memref<10000xf32, #tpu.memory_space<vmem>>) target(%dma_start3A_14 : memref<10000xf32, #tpu.memory_space<hbm>>) target_semaphore(%run_scoped3A_13 : memref<!tpu.dma_semaphore, #tpu.memory_space<semaphore_mem>>)
      %dma_wait3A = tpu.memref_slice %arg7[%mul3A_9] : memref<320000xf32, #tpu.memory_space<hbm>> -> memref<10000xf32, #tpu.memory_space<hbm>>
      %dma_wait3A_15 = tpu.memref_slice %arg7[%mul3A_9] : memref<320000xf32, #tpu.memory_space<hbm>> -> memref<10000xf32, #tpu.memory_space<hbm>>
      tpu.wait_dma2 semaphore(%run_scoped3A_13 : memref<!tpu.dma_semaphore, #tpu.memory_space<semaphore_mem>>) src(%arg17 : memref<10000xf32, #tpu.memory_space<vmem>>) dst(%dma_wait3A_15 : memref<10000xf32, #tpu.memory_space<hbm>>)
      tpu.yield
    }) : () -> ()
    return
  }
}

#map = affine_map<(d0, d1) -> (0)>
#map1 = affine_map<(d0, d1) -> (0, 0)>
module attributes {stable_mosaic.version = 14 : i64} {
  func.func @scatter_kernel(%arg0: i32, %arg1: i32, %arg2: memref<320000xi32, #tpu.memory_space<hbm>>, %arg3: memref<320000xi32, #tpu.memory_space<hbm>>, %arg4: memref<10240xf32, #tpu.memory_space<hbm>>, %arg5: memref<10240xf32, #tpu.memory_space<hbm>>, %arg6: memref<6x10240xf32, #tpu.memory_space<hbm>>, %arg7: memref<10000xi32, #tpu.memory_space<vmem>>, %arg8: memref<10000xi32, #tpu.memory_space<vmem>>, %arg9: memref<10240xf32, #tpu.memory_space<vmem>>, %arg10: memref<10240xf32, #tpu.memory_space<vmem>>, %arg11: memref<10240xf32, #tpu.memory_space<vmem>>, %arg12: memref<10240xf32, #tpu.memory_space<vmem>>, %arg13: memref<10240xf32, #tpu.memory_space<vmem>>, %arg14: memref<16x640xf32, #tpu.memory_space<vmem>>, %arg15: memref<640xf32, #tpu.memory_space<vmem>>, %arg16: memref<3x16x10240xf32, #tpu.memory_space<vmem_shared>>) attributes {dimension_semantics = [#tpu.dimension_semantics<core_parallel>, #tpu.dimension_semantics<subcore_parallel>], iteration_bounds = array<i64: 2, 16>, scalar_prefetch = 0 : i64, scratch_operands = 10 : i64, tpu.core_type = #tpu.core_type<sc_vector_subcore>, window_params = [{transform_indices = #map}, {transform_indices = #map}, {transform_indices = #map}, {transform_indices = #map}, {transform_indices = #map1}]} {
    %mul3A = arith.constant 2 : i32
    %mul3A_0 = arith.muli %arg1, %mul3A : i32
    %add3A = arith.addi %mul3A_0, %arg0 : i32
    %mul3A_1 = arith.constant 10000 : i32
    %mul3A_2 = arith.muli %add3A, %mul3A_1 : i32
    "tpu.region"() ({
      %run_scoped3A_39 = tpu.sem_alloc : memref<!tpu.dma_semaphore, #tpu.memory_space<semaphore_mem>>
      %dma_start3A = tpu.memref_slice %arg2[%mul3A_2] : memref<320000xi32, #tpu.memory_space<hbm>> -> memref<10000xi32, #tpu.memory_space<hbm>>
      %dma_start3A_40 = tpu.memref_slice %arg2[%mul3A_2] : memref<320000xi32, #tpu.memory_space<hbm>> -> memref<10000xi32, #tpu.memory_space<hbm>>
      tpu.enqueue_dma source(%dma_start3A_40 : memref<10000xi32, #tpu.memory_space<hbm>>) target(%arg7 : memref<10000xi32, #tpu.memory_space<vmem>>) target_semaphore(%run_scoped3A_39 : memref<!tpu.dma_semaphore, #tpu.memory_space<semaphore_mem>>)
      %dma_wait3A = tpu.memref_slice %arg2[%mul3A_2] : memref<320000xi32, #tpu.memory_space<hbm>> -> memref<10000xi32, #tpu.memory_space<hbm>>
      %dma_wait3A_41 = tpu.memref_slice %arg2[%mul3A_2] : memref<320000xi32, #tpu.memory_space<hbm>> -> memref<10000xi32, #tpu.memory_space<hbm>>
      tpu.wait_dma2 semaphore(%run_scoped3A_39 : memref<!tpu.dma_semaphore, #tpu.memory_space<semaphore_mem>>) src(%dma_wait3A_41 : memref<10000xi32, #tpu.memory_space<hbm>>) dst(%arg7 : memref<10000xi32, #tpu.memory_space<vmem>>)
      tpu.yield
    }) : () -> ()
    "tpu.region"() ({
      %run_scoped3A_39 = tpu.sem_alloc : memref<!tpu.dma_semaphore, #tpu.memory_space<semaphore_mem>>
      %dma_start3A = tpu.memref_slice %arg3[%mul3A_2] : memref<320000xi32, #tpu.memory_space<hbm>> -> memref<10000xi32, #tpu.memory_space<hbm>>
      %dma_start3A_40 = tpu.memref_slice %arg3[%mul3A_2] : memref<320000xi32, #tpu.memory_space<hbm>> -> memref<10000xi32, #tpu.memory_space<hbm>>
      tpu.enqueue_dma source(%dma_start3A_40 : memref<10000xi32, #tpu.memory_space<hbm>>) target(%arg8 : memref<10000xi32, #tpu.memory_space<vmem>>) target_semaphore(%run_scoped3A_39 : memref<!tpu.dma_semaphore, #tpu.memory_space<semaphore_mem>>)
      %dma_wait3A = tpu.memref_slice %arg3[%mul3A_2] : memref<320000xi32, #tpu.memory_space<hbm>> -> memref<10000xi32, #tpu.memory_space<hbm>>
      %dma_wait3A_41 = tpu.memref_slice %arg3[%mul3A_2] : memref<320000xi32, #tpu.memory_space<hbm>> -> memref<10000xi32, #tpu.memory_space<hbm>>
      tpu.wait_dma2 semaphore(%run_scoped3A_39 : memref<!tpu.dma_semaphore, #tpu.memory_space<semaphore_mem>>) src(%dma_wait3A_41 : memref<10000xi32, #tpu.memory_space<hbm>>) dst(%arg8 : memref<10000xi32, #tpu.memory_space<vmem>>)
      tpu.yield
    }) : () -> ()
    "tpu.region"() ({
      %run_scoped3A_39 = tpu.sem_alloc : memref<!tpu.dma_semaphore, #tpu.memory_space<semaphore_mem>>
      tpu.enqueue_dma source(%arg4 : memref<10240xf32, #tpu.memory_space<hbm>>) target(%arg9 : memref<10240xf32, #tpu.memory_space<vmem>>) target_semaphore(%run_scoped3A_39 : memref<!tpu.dma_semaphore, #tpu.memory_space<semaphore_mem>>)
      tpu.wait_dma2 semaphore(%run_scoped3A_39 : memref<!tpu.dma_semaphore, #tpu.memory_space<semaphore_mem>>) src(%arg4 : memref<10240xf32, #tpu.memory_space<hbm>>) dst(%arg9 : memref<10240xf32, #tpu.memory_space<vmem>>)
      tpu.yield
    }) : () -> ()
    "tpu.region"() ({
      %run_scoped3A_39 = tpu.sem_alloc : memref<!tpu.dma_semaphore, #tpu.memory_space<semaphore_mem>>
      tpu.enqueue_dma source(%arg5 : memref<10240xf32, #tpu.memory_space<hbm>>) target(%arg10 : memref<10240xf32, #tpu.memory_space<vmem>>) target_semaphore(%run_scoped3A_39 : memref<!tpu.dma_semaphore, #tpu.memory_space<semaphore_mem>>)
      tpu.wait_dma2 semaphore(%run_scoped3A_39 : memref<!tpu.dma_semaphore, #tpu.memory_space<semaphore_mem>>) src(%arg5 : memref<10240xf32, #tpu.memory_space<hbm>>) dst(%arg10 : memref<10240xf32, #tpu.memory_space<vmem>>)
      tpu.yield
    }) : () -> ()
    %broadcast_in_dim3A = arith.constant 0.000000e+00 : f32
    %broadcast_in_dim3A_3 = vector.broadcast %broadcast_in_dim3A : f32 to vector<16xf32>
    %parallel_loop3A = arith.constant 0 : i32
    %parallel_loop3A_4 = arith.constant 640 : i32
    %parallel_loop3A_5 = arith.constant 1 : i32
    scf.for %parallel_loop3A_39 = %parallel_loop3A to %parallel_loop3A_4 step %parallel_loop3A_5  : i32 {
      %parallel_loop3A_40 = arith.constant 16 : i32
      %parallel_loop3A_41 = arith.muli %parallel_loop3A_39, %parallel_loop3A_40 : i32
      %parallel_loop3A_42 = arith.index_cast %parallel_loop3A_41 : i32 to index
      %parallel_loop3A_43 = tpu.vector_load %arg11[%parallel_loop3A_42] {strides = array<i32>} : memref<10240xf32, #tpu.memory_space<vmem>>, vector<16xf32>,
      tpu.vector_store %arg11[%parallel_loop3A_42], %broadcast_in_dim3A_3 {strides = array<i32>} : memref<10240xf32, #tpu.memory_space<vmem>>, vector<16xf32>,
      %parallel_loop3A_44 = arith.index_cast %parallel_loop3A_41 : i32 to index
      %parallel_loop3A_45 = tpu.vector_load %arg12[%parallel_loop3A_44] {strides = array<i32>} : memref<10240xf32, #tpu.memory_space<vmem>>, vector<16xf32>,
      tpu.vector_store %arg12[%parallel_loop3A_44], %broadcast_in_dim3A_3 {strides = array<i32>} : memref<10240xf32, #tpu.memory_space<vmem>>, vector<16xf32>,
      %parallel_loop3A_46 = arith.index_cast %parallel_loop3A_41 : i32 to index
      %parallel_loop3A_47 = tpu.vector_load %arg13[%parallel_loop3A_46] {strides = array<i32>} : memref<10240xf32, #tpu.memory_space<vmem>>, vector<16xf32>,
      tpu.vector_store %arg13[%parallel_loop3A_46], %broadcast_in_dim3A_3 {strides = array<i32>} : memref<10240xf32, #tpu.memory_space<vmem>>, vector<16xf32>,
    } {sc.loop_unroll_factor = 8 : i64, sc.parallel_access}
    %broadcast_in_dim3A_6 = arith.constant 1.000000e+00 : f32
    %broadcast_in_dim3A_7 = vector.broadcast %broadcast_in_dim3A_6 : f32 to vector<16xf32>
    %parallel_loop3A_8 = arith.constant 0 : i32
    %parallel_loop3A_9 = arith.constant 625 : i32
    %parallel_loop3A_10 = arith.constant 1 : i32
    scf.for %parallel_loop3A_39 = %parallel_loop3A_8 to %parallel_loop3A_9 step %parallel_loop3A_10  : i32 {
      %parallel_loop3A_40 = arith.constant 16 : i32
      %parallel_loop3A_41 = arith.muli %parallel_loop3A_39, %parallel_loop3A_40 : i32
      %parallel_loop3A_42 = arith.index_cast %parallel_loop3A_41 : i32 to index
      %parallel_loop3A_43 = tpu.vector_load %arg7[%parallel_loop3A_42] {strides = array<i32>} : memref<10000xi32, #tpu.memory_space<vmem>>, vector<16xi32>,
      %parallel_loop3A_44 = arith.constant 16 : i32
      %parallel_loop3A_45 = arith.muli %parallel_loop3A_39, %parallel_loop3A_44 : i32
      %parallel_loop3A_46 = arith.index_cast %parallel_loop3A_45 : i32 to index
      %parallel_loop3A_47 = tpu.vector_load %arg8[%parallel_loop3A_46] {strides = array<i32>} : memref<10000xi32, #tpu.memory_space<vmem>>, vector<16xi32>,
      %parallel_loop3A_48 = tpu.vector_load_idx %arg9[%parallel_loop3A_43] : memref<10240xf32, #tpu.memory_space<vmem>>[vector<16xi32>], vector<16xf32>,
      %parallel_loop3A_49 = tpu.vector_load_idx %arg10[%parallel_loop3A_43] : memref<10240xf32, #tpu.memory_space<vmem>>[vector<16xi32>], vector<16xf32>,
      tpu.vector_store_idx %arg11[%parallel_loop3A_47], %parallel_loop3A_48 {add = true} : memref<10240xf32, #tpu.memory_space<vmem>>[vector<16xi32>], vector<16xf32>,
      tpu.vector_store_idx %arg12[%parallel_loop3A_47], %parallel_loop3A_49 {add = true} : memref<10240xf32, #tpu.memory_space<vmem>>[vector<16xi32>], vector<16xf32>,
      tpu.vector_store_idx %arg13[%parallel_loop3A_47], %broadcast_in_dim3A_7 {add = true} : memref<10240xf32, #tpu.memory_space<vmem>>[vector<16xi32>], vector<16xf32>,
    } {sc.loop_unroll_factor = 8 : i64, sc.parallel_access}
    %run_scoped3A = arith.constant 0 : i32
    "tpu.region"() ({
      %run_scoped3A_39 = tpu.sem_alloc : memref<!tpu.dma_semaphore, #tpu.memory_space<semaphore_mem>>
      %dma_start3A = arith.constant 0 : i32
      %dma_start3A_40 = tpu.memref_slice %arg16[%run_scoped3A, %arg1, %dma_start3A] : memref<3x16x10240xf32, #tpu.memory_space<vmem_shared>> -> memref<1x1x10240xf32, #tpu.memory_space<vmem_shared>>
      %dma_start3A_41 = tpu.memref_squeeze %dma_start3A_40 : memref<1x1x10240xf32, #tpu.memory_space<vmem_shared>> -> memref<10240xf32, #tpu.memory_space<vmem_shared>>
      %dma_start3A_42 = arith.constant 0 : i32
      %dma_start3A_43 = tpu.memref_slice %arg16[%run_scoped3A, %arg1, %dma_start3A_42] : memref<3x16x10240xf32, #tpu.memory_space<vmem_shared>> -> memref<1x1x10240xf32, #tpu.memory_space<vmem_shared>>
      %dma_start3A_44 = tpu.memref_squeeze %dma_start3A_43 : memref<1x1x10240xf32, #tpu.memory_space<vmem_shared>> -> memref<10240xf32, #tpu.memory_space<vmem_shared>>
      tpu.enqueue_dma source(%arg11 : memref<10240xf32, #tpu.memory_space<vmem>>) target(%dma_start3A_44 : memref<10240xf32, #tpu.memory_space<vmem_shared>>) target_semaphore(%run_scoped3A_39 : memref<!tpu.dma_semaphore, #tpu.memory_space<semaphore_mem>>)
      %dma_wait3A = arith.constant 0 : i32
      %dma_wait3A_45 = tpu.memref_slice %arg16[%run_scoped3A, %arg1, %dma_wait3A] : memref<3x16x10240xf32, #tpu.memory_space<vmem_shared>> -> memref<1x1x10240xf32, #tpu.memory_space<vmem_shared>>
      %dma_wait3A_46 = tpu.memref_squeeze %dma_wait3A_45 : memref<1x1x10240xf32, #tpu.memory_space<vmem_shared>> -> memref<10240xf32, #tpu.memory_space<vmem_shared>>
      %dma_wait3A_47 = arith.constant 0 : i32
      %dma_wait3A_48 = tpu.memref_slice %arg16[%run_scoped3A, %arg1, %dma_wait3A_47] : memref<3x16x10240xf32, #tpu.memory_space<vmem_shared>> -> memref<1x1x10240xf32, #tpu.memory_space<vmem_shared>>
      %dma_wait3A_49 = tpu.memref_squeeze %dma_wait3A_48 : memref<1x1x10240xf32, #tpu.memory_space<vmem_shared>> -> memref<10240xf32, #tpu.memory_space<vmem_shared>>
      tpu.wait_dma2 semaphore(%run_scoped3A_39 : memref<!tpu.dma_semaphore, #tpu.memory_space<semaphore_mem>>) src(%arg11 : memref<10240xf32, #tpu.memory_space<vmem>>) dst(%dma_wait3A_49 : memref<10240xf32, #tpu.memory_space<vmem_shared>>)
      tpu.yield
    }) : () -> ()
    %run_scoped3A_11 = arith.constant 1 : i32
    "tpu.region"() ({
      %run_scoped3A_39 = tpu.sem_alloc : memref<!tpu.dma_semaphore, #tpu.memory_space<semaphore_mem>>
      %dma_start3A = arith.constant 0 : i32
      %dma_start3A_40 = tpu.memref_slice %arg16[%run_scoped3A_11, %arg1, %dma_start3A] : memref<3x16x10240xf32, #tpu.memory_space<vmem_shared>> -> memref<1x1x10240xf32, #tpu.memory_space<vmem_shared>>
      %dma_start3A_41 = tpu.memref_squeeze %dma_start3A_40 : memref<1x1x10240xf32, #tpu.memory_space<vmem_shared>> -> memref<10240xf32, #tpu.memory_space<vmem_shared>>
      %dma_start3A_42 = arith.constant 0 : i32
      %dma_start3A_43 = tpu.memref_slice %arg16[%run_scoped3A_11, %arg1, %dma_start3A_42] : memref<3x16x10240xf32, #tpu.memory_space<vmem_shared>> -> memref<1x1x10240xf32, #tpu.memory_space<vmem_shared>>
      %dma_start3A_44 = tpu.memref_squeeze %dma_start3A_43 : memref<1x1x10240xf32, #tpu.memory_space<vmem_shared>> -> memref<10240xf32, #tpu.memory_space<vmem_shared>>
      tpu.enqueue_dma source(%arg12 : memref<10240xf32, #tpu.memory_space<vmem>>) target(%dma_start3A_44 : memref<10240xf32, #tpu.memory_space<vmem_shared>>) target_semaphore(%run_scoped3A_39 : memref<!tpu.dma_semaphore, #tpu.memory_space<semaphore_mem>>)
      %dma_wait3A = arith.constant 0 : i32
      %dma_wait3A_45 = tpu.memref_slice %arg16[%run_scoped3A_11, %arg1, %dma_wait3A] : memref<3x16x10240xf32, #tpu.memory_space<vmem_shared>> -> memref<1x1x10240xf32, #tpu.memory_space<vmem_shared>>
      %dma_wait3A_46 = tpu.memref_squeeze %dma_wait3A_45 : memref<1x1x10240xf32, #tpu.memory_space<vmem_shared>> -> memref<10240xf32, #tpu.memory_space<vmem_shared>>
      %dma_wait3A_47 = arith.constant 0 : i32
      %dma_wait3A_48 = tpu.memref_slice %arg16[%run_scoped3A_11, %arg1, %dma_wait3A_47] : memref<3x16x10240xf32, #tpu.memory_space<vmem_shared>> -> memref<1x1x10240xf32, #tpu.memory_space<vmem_shared>>
      %dma_wait3A_49 = tpu.memref_squeeze %dma_wait3A_48 : memref<1x1x10240xf32, #tpu.memory_space<vmem_shared>> -> memref<10240xf32, #tpu.memory_space<vmem_shared>>
      tpu.wait_dma2 semaphore(%run_scoped3A_39 : memref<!tpu.dma_semaphore, #tpu.memory_space<semaphore_mem>>) src(%arg12 : memref<10240xf32, #tpu.memory_space<vmem>>) dst(%dma_wait3A_49 : memref<10240xf32, #tpu.memory_space<vmem_shared>>)
      tpu.yield
    }) : () -> ()
    %run_scoped3A_12 = arith.constant 2 : i32
    "tpu.region"() ({
      %run_scoped3A_39 = tpu.sem_alloc : memref<!tpu.dma_semaphore, #tpu.memory_space<semaphore_mem>>
      %dma_start3A = arith.constant 0 : i32
      %dma_start3A_40 = tpu.memref_slice %arg16[%run_scoped3A_12, %arg1, %dma_start3A] : memref<3x16x10240xf32, #tpu.memory_space<vmem_shared>> -> memref<1x1x10240xf32, #tpu.memory_space<vmem_shared>>
      %dma_start3A_41 = tpu.memref_squeeze %dma_start3A_40 : memref<1x1x10240xf32, #tpu.memory_space<vmem_shared>> -> memref<10240xf32, #tpu.memory_space<vmem_shared>>
      %dma_start3A_42 = arith.constant 0 : i32
      %dma_start3A_43 = tpu.memref_slice %arg16[%run_scoped3A_12, %arg1, %dma_start3A_42] : memref<3x16x10240xf32, #tpu.memory_space<vmem_shared>> -> memref<1x1x10240xf32, #tpu.memory_space<vmem_shared>>
      %dma_start3A_44 = tpu.memref_squeeze %dma_start3A_43 : memref<1x1x10240xf32, #tpu.memory_space<vmem_shared>> -> memref<10240xf32, #tpu.memory_space<vmem_shared>>
      tpu.enqueue_dma source(%arg13 : memref<10240xf32, #tpu.memory_space<vmem>>) target(%dma_start3A_44 : memref<10240xf32, #tpu.memory_space<vmem_shared>>) target_semaphore(%run_scoped3A_39 : memref<!tpu.dma_semaphore, #tpu.memory_space<semaphore_mem>>)
      %dma_wait3A = arith.constant 0 : i32
      %dma_wait3A_45 = tpu.memref_slice %arg16[%run_scoped3A_12, %arg1, %dma_wait3A] : memref<3x16x10240xf32, #tpu.memory_space<vmem_shared>> -> memref<1x1x10240xf32, #tpu.memory_space<vmem_shared>>
      %dma_wait3A_46 = tpu.memref_squeeze %dma_wait3A_45 : memref<1x1x10240xf32, #tpu.memory_space<vmem_shared>> -> memref<10240xf32, #tpu.memory_space<vmem_shared>>
      %dma_wait3A_47 = arith.constant 0 : i32
      %dma_wait3A_48 = tpu.memref_slice %arg16[%run_scoped3A_12, %arg1, %dma_wait3A_47] : memref<3x16x10240xf32, #tpu.memory_space<vmem_shared>> -> memref<1x1x10240xf32, #tpu.memory_space<vmem_shared>>
      %dma_wait3A_49 = tpu.memref_squeeze %dma_wait3A_48 : memref<1x1x10240xf32, #tpu.memory_space<vmem_shared>> -> memref<10240xf32, #tpu.memory_space<vmem_shared>>
      tpu.wait_dma2 semaphore(%run_scoped3A_39 : memref<!tpu.dma_semaphore, #tpu.memory_space<semaphore_mem>>) src(%arg13 : memref<10240xf32, #tpu.memory_space<vmem>>) dst(%dma_wait3A_49 : memref<10240xf32, #tpu.memory_space<vmem_shared>>)
      tpu.yield
    }) : () -> ()
    %barrier3A = arith.constant 0 : index
    tpu.barrier barrier_id(%barrier3A)
    %mul3A_13 = arith.constant 640 : i32
    %mul3A_14 = arith.muli %arg1, %mul3A_13 : i32
    %run_scoped3A_15 = arith.constant 0 : i32
    "tpu.region"() ({
      %run_scoped3A_39 = tpu.sem_alloc : memref<!tpu.dma_semaphore, #tpu.memory_space<semaphore_mem>>
      %dma_start3A = arith.constant 0 : i32
      %dma_start3A_40 = tpu.memref_slice %arg16[%run_scoped3A_15, %dma_start3A, %mul3A_14] : memref<3x16x10240xf32, #tpu.memory_space<vmem_shared>> -> memref<1x16x640xf32, #tpu.memory_space<vmem_shared>>
      %dma_start3A_41 = tpu.memref_squeeze %dma_start3A_40 : memref<1x16x640xf32, #tpu.memory_space<vmem_shared>> -> memref<16x640xf32, #tpu.memory_space<vmem_shared>>
      %dma_start3A_42 = arith.constant 0 : i32
      %dma_start3A_43 = tpu.memref_slice %arg16[%run_scoped3A_15, %dma_start3A_42, %mul3A_14] : memref<3x16x10240xf32, #tpu.memory_space<vmem_shared>> -> memref<1x16x640xf32, #tpu.memory_space<vmem_shared>>
      %dma_start3A_44 = tpu.memref_squeeze %dma_start3A_43 : memref<1x16x640xf32, #tpu.memory_space<vmem_shared>> -> memref<16x640xf32, #tpu.memory_space<vmem_shared>>
      tpu.enqueue_dma source(%dma_start3A_44 : memref<16x640xf32, #tpu.memory_space<vmem_shared>>) target(%arg14 : memref<16x640xf32, #tpu.memory_space<vmem>>) target_semaphore(%run_scoped3A_39 : memref<!tpu.dma_semaphore, #tpu.memory_space<semaphore_mem>>)
      %dma_wait3A = arith.constant 0 : i32
      %dma_wait3A_45 = tpu.memref_slice %arg16[%run_scoped3A_15, %dma_wait3A, %mul3A_14] : memref<3x16x10240xf32, #tpu.memory_space<vmem_shared>> -> memref<1x16x640xf32, #tpu.memory_space<vmem_shared>>
      %dma_wait3A_46 = tpu.memref_squeeze %dma_wait3A_45 : memref<1x16x640xf32, #tpu.memory_space<vmem_shared>> -> memref<16x640xf32, #tpu.memory_space<vmem_shared>>
      %dma_wait3A_47 = arith.constant 0 : i32
      %dma_wait3A_48 = tpu.memref_slice %arg16[%run_scoped3A_15, %dma_wait3A_47, %mul3A_14] : memref<3x16x10240xf32, #tpu.memory_space<vmem_shared>> -> memref<1x16x640xf32, #tpu.memory_space<vmem_shared>>
      %dma_wait3A_49 = tpu.memref_squeeze %dma_wait3A_48 : memref<1x16x640xf32, #tpu.memory_space<vmem_shared>> -> memref<16x640xf32, #tpu.memory_space<vmem_shared>>
      tpu.wait_dma2 semaphore(%run_scoped3A_39 : memref<!tpu.dma_semaphore, #tpu.memory_space<semaphore_mem>>) src(%dma_wait3A_49 : memref<16x640xf32, #tpu.memory_space<vmem_shared>>) dst(%arg14 : memref<16x640xf32, #tpu.memory_space<vmem>>)
      tpu.yield
    }) : () -> ()
    %parallel_loop3A_16 = arith.constant 0 : i32
    %parallel_loop3A_17 = arith.constant 40 : i32
    %parallel_loop3A_18 = arith.constant 1 : i32
    scf.for %parallel_loop3A_39 = %parallel_loop3A_16 to %parallel_loop3A_17 step %parallel_loop3A_18  : i32 {
      %parallel_loop3A_40 = arith.constant 16 : i32
      %parallel_loop3A_41 = arith.muli %parallel_loop3A_39, %parallel_loop3A_40 : i32
      %parallel_loop3A_42 = arith.constant 0 : i32
      %parallel_loop3A_43 = arith.index_cast %parallel_loop3A_42 : i32 to index
      %parallel_loop3A_44 = arith.index_cast %parallel_loop3A_41 : i32 to index
      %parallel_loop3A_45 = tpu.vector_load %arg14[%parallel_loop3A_43, %parallel_loop3A_44] {strides = array<i32>} : memref<16x640xf32, #tpu.memory_space<vmem>>, vector<16xf32>,
      %parallel_loop3A_46 = arith.constant 1 : i32
      %parallel_loop3A_47 = arith.index_cast %parallel_loop3A_46 : i32 to index
      %parallel_loop3A_48 = arith.index_cast %parallel_loop3A_41 : i32 to index
      %parallel_loop3A_49 = tpu.vector_load %arg14[%parallel_loop3A_47, %parallel_loop3A_48] {strides = array<i32>} : memref<16x640xf32, #tpu.memory_space<vmem>>, vector<16xf32>,
      %parallel_loop3A_50 = arith.addf %parallel_loop3A_45, %parallel_loop3A_49 : vector<16xf32>
      %parallel_loop3A_51 = arith.constant 2 : i32
      %parallel_loop3A_52 = arith.index_cast %parallel_loop3A_51 : i32 to index
      %parallel_loop3A_53 = arith.index_cast %parallel_loop3A_41 : i32 to index
      %parallel_loop3A_54 = tpu.vector_load %arg14[%parallel_loop3A_52, %parallel_loop3A_53] {strides = array<i32>} : memref<16x640xf32, #tpu.memory_space<vmem>>, vector<16xf32>,
      %parallel_loop3A_55 = arith.addf %parallel_loop3A_50, %parallel_loop3A_54 : vector<16xf32>
      %parallel_loop3A_56 = arith.constant 3 : i32
      %parallel_loop3A_57 = arith.index_cast %parallel_loop3A_56 : i32 to index
      %parallel_loop3A_58 = arith.index_cast %parallel_loop3A_41 : i32 to index
      %parallel_loop3A_59 = tpu.vector_load %arg14[%parallel_loop3A_57, %parallel_loop3A_58] {strides = array<i32>} : memref<16x640xf32, #tpu.memory_space<vmem>>, vector<16xf32>,
      %parallel_loop3A_60 = arith.addf %parallel_loop3A_55, %parallel_loop3A_59 : vector<16xf32>
      %parallel_loop3A_61 = arith.constant 4 : i32
      %parallel_loop3A_62 = arith.index_cast %parallel_loop3A_61 : i32 to index
      %parallel_loop3A_63 = arith.index_cast %parallel_loop3A_41 : i32 to index
      %parallel_loop3A_64 = tpu.vector_load %arg14[%parallel_loop3A_62, %parallel_loop3A_63] {strides = array<i32>} : memref<16x640xf32, #tpu.memory_space<vmem>>, vector<16xf32>,
      %parallel_loop3A_65 = arith.addf %parallel_loop3A_60, %parallel_loop3A_64 : vector<16xf32>
      %parallel_loop3A_66 = arith.constant 5 : i32
      %parallel_loop3A_67 = arith.index_cast %parallel_loop3A_66 : i32 to index
      %parallel_loop3A_68 = arith.index_cast %parallel_loop3A_41 : i32 to index
      %parallel_loop3A_69 = tpu.vector_load %arg14[%parallel_loop3A_67, %parallel_loop3A_68] {strides = array<i32>} : memref<16x640xf32, #tpu.memory_space<vmem>>, vector<16xf32>,
      %parallel_loop3A_70 = arith.addf %parallel_loop3A_65, %parallel_loop3A_69 : vector<16xf32>
      %parallel_loop3A_71 = arith.constant 6 : i32
      %parallel_loop3A_72 = arith.index_cast %parallel_loop3A_71 : i32 to index
      %parallel_loop3A_73 = arith.index_cast %parallel_loop3A_41 : i32 to index
      %parallel_loop3A_74 = tpu.vector_load %arg14[%parallel_loop3A_72, %parallel_loop3A_73] {strides = array<i32>} : memref<16x640xf32, #tpu.memory_space<vmem>>, vector<16xf32>,
      %parallel_loop3A_75 = arith.addf %parallel_loop3A_70, %parallel_loop3A_74 : vector<16xf32>
      %parallel_loop3A_76 = arith.constant 7 : i32
      %parallel_loop3A_77 = arith.index_cast %parallel_loop3A_76 : i32 to index
      %parallel_loop3A_78 = arith.index_cast %parallel_loop3A_41 : i32 to index
      %parallel_loop3A_79 = tpu.vector_load %arg14[%parallel_loop3A_77, %parallel_loop3A_78] {strides = array<i32>} : memref<16x640xf32, #tpu.memory_space<vmem>>, vector<16xf32>,
      %parallel_loop3A_80 = arith.addf %parallel_loop3A_75, %parallel_loop3A_79 : vector<16xf32>
      %parallel_loop3A_81 = arith.constant 8 : i32
      %parallel_loop3A_82 = arith.index_cast %parallel_loop3A_81 : i32 to index
      %parallel_loop3A_83 = arith.index_cast %parallel_loop3A_41 : i32 to index
      %parallel_loop3A_84 = tpu.vector_load %arg14[%parallel_loop3A_82, %parallel_loop3A_83] {strides = array<i32>} : memref<16x640xf32, #tpu.memory_space<vmem>>, vector<16xf32>,
      %parallel_loop3A_85 = arith.addf %parallel_loop3A_80, %parallel_loop3A_84 : vector<16xf32>
      %parallel_loop3A_86 = arith.constant 9 : i32
      %parallel_loop3A_87 = arith.index_cast %parallel_loop3A_86 : i32 to index
      %parallel_loop3A_88 = arith.index_cast %parallel_loop3A_41 : i32 to index
      %parallel_loop3A_89 = tpu.vector_load %arg14[%parallel_loop3A_87, %parallel_loop3A_88] {strides = array<i32>} : memref<16x640xf32, #tpu.memory_space<vmem>>, vector<16xf32>,
      %parallel_loop3A_90 = arith.addf %parallel_loop3A_85, %parallel_loop3A_89 : vector<16xf32>
      %parallel_loop3A_91 = arith.constant 10 : i32
      %parallel_loop3A_92 = arith.index_cast %parallel_loop3A_91 : i32 to index
      %parallel_loop3A_93 = arith.index_cast %parallel_loop3A_41 : i32 to index
      %parallel_loop3A_94 = tpu.vector_load %arg14[%parallel_loop3A_92, %parallel_loop3A_93] {strides = array<i32>} : memref<16x640xf32, #tpu.memory_space<vmem>>, vector<16xf32>,
      %parallel_loop3A_95 = arith.addf %parallel_loop3A_90, %parallel_loop3A_94 : vector<16xf32>
      %parallel_loop3A_96 = arith.constant 11 : i32
      %parallel_loop3A_97 = arith.index_cast %parallel_loop3A_96 : i32 to index
      %parallel_loop3A_98 = arith.index_cast %parallel_loop3A_41 : i32 to index
      %parallel_loop3A_99 = tpu.vector_load %arg14[%parallel_loop3A_97, %parallel_loop3A_98] {strides = array<i32>} : memref<16x640xf32, #tpu.memory_space<vmem>>, vector<16xf32>,
      %parallel_loop3A_100 = arith.addf %parallel_loop3A_95, %parallel_loop3A_99 : vector<16xf32>
      %parallel_loop3A_101 = arith.constant 12 : i32
      %parallel_loop3A_102 = arith.index_cast %parallel_loop3A_101 : i32 to index
      %parallel_loop3A_103 = arith.index_cast %parallel_loop3A_41 : i32 to index
      %parallel_loop3A_104 = tpu.vector_load %arg14[%parallel_loop3A_102, %parallel_loop3A_103] {strides = array<i32>} : memref<16x640xf32, #tpu.memory_space<vmem>>, vector<16xf32>,
      %parallel_loop3A_105 = arith.addf %parallel_loop3A_100, %parallel_loop3A_104 : vector<16xf32>
      %parallel_loop3A_106 = arith.constant 13 : i32
      %parallel_loop3A_107 = arith.index_cast %parallel_loop3A_106 : i32 to index
      %parallel_loop3A_108 = arith.index_cast %parallel_loop3A_41 : i32 to index
      %parallel_loop3A_109 = tpu.vector_load %arg14[%parallel_loop3A_107, %parallel_loop3A_108] {strides = array<i32>} : memref<16x640xf32, #tpu.memory_space<vmem>>, vector<16xf32>,
      %parallel_loop3A_110 = arith.addf %parallel_loop3A_105, %parallel_loop3A_109 : vector<16xf32>
      %parallel_loop3A_111 = arith.constant 14 : i32
      %parallel_loop3A_112 = arith.index_cast %parallel_loop3A_111 : i32 to index
      %parallel_loop3A_113 = arith.index_cast %parallel_loop3A_41 : i32 to index
      %parallel_loop3A_114 = tpu.vector_load %arg14[%parallel_loop3A_112, %parallel_loop3A_113] {strides = array<i32>} : memref<16x640xf32, #tpu.memory_space<vmem>>, vector<16xf32>,
      %parallel_loop3A_115 = arith.addf %parallel_loop3A_110, %parallel_loop3A_114 : vector<16xf32>
      %parallel_loop3A_116 = arith.constant 15 : i32
      %parallel_loop3A_117 = arith.index_cast %parallel_loop3A_116 : i32 to index
      %parallel_loop3A_118 = arith.index_cast %parallel_loop3A_41 : i32 to index
      %parallel_loop3A_119 = tpu.vector_load %arg14[%parallel_loop3A_117, %parallel_loop3A_118] {strides = array<i32>} : memref<16x640xf32, #tpu.memory_space<vmem>>, vector<16xf32>,
      %parallel_loop3A_120 = arith.addf %parallel_loop3A_115, %parallel_loop3A_119 : vector<16xf32>
      %parallel_loop3A_121 = arith.index_cast %parallel_loop3A_41 : i32 to index
      %parallel_loop3A_122 = tpu.vector_load %arg15[%parallel_loop3A_121] {strides = array<i32>} : memref<640xf32, #tpu.memory_space<vmem>>, vector<16xf32>,
      tpu.vector_store %arg15[%parallel_loop3A_121], %parallel_loop3A_120 {strides = array<i32>} : memref<640xf32, #tpu.memory_space<vmem>>, vector<16xf32>,
    } {sc.loop_unroll_factor = 2 : i64, sc.parallel_access}
    %mul3A_19 = arith.constant 3 : i32
    %mul3A_20 = arith.muli %arg0, %mul3A_19 : i32
    %add3A_21 = arith.constant 0 : i32
    %add3A_22 = arith.addi %mul3A_20, %add3A_21 : i32
    "tpu.region"() ({
      %run_scoped3A_39 = tpu.sem_alloc : memref<!tpu.dma_semaphore, #tpu.memory_space<semaphore_mem>>
      %dma_start3A = tpu.memref_slice %arg6[%add3A_22, %mul3A_14] : memref<6x10240xf32, #tpu.memory_space<hbm>> -> memref<1x640xf32, #tpu.memory_space<hbm>>
      %dma_start3A_40 = tpu.memref_squeeze %dma_start3A : memref<1x640xf32, #tpu.memory_space<hbm>> -> memref<640xf32, #tpu.memory_space<hbm>>
      %dma_start3A_41 = tpu.memref_slice %arg6[%add3A_22, %mul3A_14] : memref<6x10240xf32, #tpu.memory_space<hbm>> -> memref<1x640xf32, #tpu.memory_space<hbm>>
      %dma_start3A_42 = tpu.memref_squeeze %dma_start3A_41 : memref<1x640xf32, #tpu.memory_space<hbm>> -> memref<640xf32, #tpu.memory_space<hbm>>
      tpu.enqueue_dma source(%arg15 : memref<640xf32, #tpu.memory_space<vmem>>) target(%dma_start3A_42 : memref<640xf32, #tpu.memory_space<hbm>>) target_semaphore(%run_scoped3A_39 : memref<!tpu.dma_semaphore, #tpu.memory_space<semaphore_mem>>)
      %dma_wait3A = tpu.memref_slice %arg6[%add3A_22, %mul3A_14] : memref<6x10240xf32, #tpu.memory_space<hbm>> -> memref<1x640xf32, #tpu.memory_space<hbm>>
      %dma_wait3A_43 = tpu.memref_squeeze %dma_wait3A : memref<1x640xf32, #tpu.memory_space<hbm>> -> memref<640xf32, #tpu.memory_space<hbm>>
      %dma_wait3A_44 = tpu.memref_slice %arg6[%add3A_22, %mul3A_14] : memref<6x10240xf32, #tpu.memory_space<hbm>> -> memref<1x640xf32, #tpu.memory_space<hbm>>
      %dma_wait3A_45 = tpu.memref_squeeze %dma_wait3A_44 : memref<1x640xf32, #tpu.memory_space<hbm>> -> memref<640xf32, #tpu.memory_space<hbm>>
      tpu.wait_dma2 semaphore(%run_scoped3A_39 : memref<!tpu.dma_semaphore, #tpu.memory_space<semaphore_mem>>) src(%arg15 : memref<640xf32, #tpu.memory_space<vmem>>) dst(%dma_wait3A_45 : memref<640xf32, #tpu.memory_space<hbm>>)
      tpu.yield
    }) : () -> ()
    %run_scoped3A_23 = arith.constant 1 : i32
    "tpu.region"() ({
      %run_scoped3A_39 = tpu.sem_alloc : memref<!tpu.dma_semaphore, #tpu.memory_space<semaphore_mem>>
      %dma_start3A = arith.constant 0 : i32
      %dma_start3A_40 = tpu.memref_slice %arg16[%run_scoped3A_23, %dma_start3A, %mul3A_14] : memref<3x16x10240xf32, #tpu.memory_space<vmem_shared>> -> memref<1x16x640xf32, #tpu.memory_space<vmem_shared>>
      %dma_start3A_41 = tpu.memref_squeeze %dma_start3A_40 : memref<1x16x640xf32, #tpu.memory_space<vmem_shared>> -> memref<16x640xf32, #tpu.memory_space<vmem_shared>>
      %dma_start3A_42 = arith.constant 0 : i32
      %dma_start3A_43 = tpu.memref_slice %arg16[%run_scoped3A_23, %dma_start3A_42, %mul3A_14] : memref<3x16x10240xf32, #tpu.memory_space<vmem_shared>> -> memref<1x16x640xf32, #tpu.memory_space<vmem_shared>>
      %dma_start3A_44 = tpu.memref_squeeze %dma_start3A_43 : memref<1x16x640xf32, #tpu.memory_space<vmem_shared>> -> memref<16x640xf32, #tpu.memory_space<vmem_shared>>
      tpu.enqueue_dma source(%dma_start3A_44 : memref<16x640xf32, #tpu.memory_space<vmem_shared>>) target(%arg14 : memref<16x640xf32, #tpu.memory_space<vmem>>) target_semaphore(%run_scoped3A_39 : memref<!tpu.dma_semaphore, #tpu.memory_space<semaphore_mem>>)
      %dma_wait3A = arith.constant 0 : i32
      %dma_wait3A_45 = tpu.memref_slice %arg16[%run_scoped3A_23, %dma_wait3A, %mul3A_14] : memref<3x16x10240xf32, #tpu.memory_space<vmem_shared>> -> memref<1x16x640xf32, #tpu.memory_space<vmem_shared>>
      %dma_wait3A_46 = tpu.memref_squeeze %dma_wait3A_45 : memref<1x16x640xf32, #tpu.memory_space<vmem_shared>> -> memref<16x640xf32, #tpu.memory_space<vmem_shared>>
      %dma_wait3A_47 = arith.constant 0 : i32
      %dma_wait3A_48 = tpu.memref_slice %arg16[%run_scoped3A_23, %dma_wait3A_47, %mul3A_14] : memref<3x16x10240xf32, #tpu.memory_space<vmem_shared>> -> memref<1x16x640xf32, #tpu.memory_space<vmem_shared>>
      %dma_wait3A_49 = tpu.memref_squeeze %dma_wait3A_48 : memref<1x16x640xf32, #tpu.memory_space<vmem_shared>> -> memref<16x640xf32, #tpu.memory_space<vmem_shared>>
      tpu.wait_dma2 semaphore(%run_scoped3A_39 : memref<!tpu.dma_semaphore, #tpu.memory_space<semaphore_mem>>) src(%dma_wait3A_49 : memref<16x640xf32, #tpu.memory_space<vmem_shared>>) dst(%arg14 : memref<16x640xf32, #tpu.memory_space<vmem>>)
      tpu.yield
    }) : () -> ()
    %parallel_loop3A_24 = arith.constant 0 : i32
    %parallel_loop3A_25 = arith.constant 40 : i32
    %parallel_loop3A_26 = arith.constant 1 : i32
    scf.for %parallel_loop3A_39 = %parallel_loop3A_24 to %parallel_loop3A_25 step %parallel_loop3A_26  : i32 {
      %parallel_loop3A_40 = arith.constant 16 : i32
      %parallel_loop3A_41 = arith.muli %parallel_loop3A_39, %parallel_loop3A_40 : i32
      %parallel_loop3A_42 = arith.constant 0 : i32
      %parallel_loop3A_43 = arith.index_cast %parallel_loop3A_42 : i32 to index
      %parallel_loop3A_44 = arith.index_cast %parallel_loop3A_41 : i32 to index
      %parallel_loop3A_45 = tpu.vector_load %arg14[%parallel_loop3A_43, %parallel_loop3A_44] {strides = array<i32>} : memref<16x640xf32, #tpu.memory_space<vmem>>, vector<16xf32>,
      %parallel_loop3A_46 = arith.constant 1 : i32
      %parallel_loop3A_47 = arith.index_cast %parallel_loop3A_46 : i32 to index
      %parallel_loop3A_48 = arith.index_cast %parallel_loop3A_41 : i32 to index
      %parallel_loop3A_49 = tpu.vector_load %arg14[%parallel_loop3A_47, %parallel_loop3A_48] {strides = array<i32>} : memref<16x640xf32, #tpu.memory_space<vmem>>, vector<16xf32>,
      %parallel_loop3A_50 = arith.addf %parallel_loop3A_45, %parallel_loop3A_49 : vector<16xf32>
      %parallel_loop3A_51 = arith.constant 2 : i32
      %parallel_loop3A_52 = arith.index_cast %parallel_loop3A_51 : i32 to index
      %parallel_loop3A_53 = arith.index_cast %parallel_loop3A_41 : i32 to index
      %parallel_loop3A_54 = tpu.vector_load %arg14[%parallel_loop3A_52, %parallel_loop3A_53] {strides = array<i32>} : memref<16x640xf32, #tpu.memory_space<vmem>>, vector<16xf32>,
      %parallel_loop3A_55 = arith.addf %parallel_loop3A_50, %parallel_loop3A_54 : vector<16xf32>
      %parallel_loop3A_56 = arith.constant 3 : i32
      %parallel_loop3A_57 = arith.index_cast %parallel_loop3A_56 : i32 to index
      %parallel_loop3A_58 = arith.index_cast %parallel_loop3A_41 : i32 to index
      %parallel_loop3A_59 = tpu.vector_load %arg14[%parallel_loop3A_57, %parallel_loop3A_58] {strides = array<i32>} : memref<16x640xf32, #tpu.memory_space<vmem>>, vector<16xf32>,
      %parallel_loop3A_60 = arith.addf %parallel_loop3A_55, %parallel_loop3A_59 : vector<16xf32>
      %parallel_loop3A_61 = arith.constant 4 : i32
      %parallel_loop3A_62 = arith.index_cast %parallel_loop3A_61 : i32 to index
      %parallel_loop3A_63 = arith.index_cast %parallel_loop3A_41 : i32 to index
      %parallel_loop3A_64 = tpu.vector_load %arg14[%parallel_loop3A_62, %parallel_loop3A_63] {strides = array<i32>} : memref<16x640xf32, #tpu.memory_space<vmem>>, vector<16xf32>,
      %parallel_loop3A_65 = arith.addf %parallel_loop3A_60, %parallel_loop3A_64 : vector<16xf32>
      %parallel_loop3A_66 = arith.constant 5 : i32
      %parallel_loop3A_67 = arith.index_cast %parallel_loop3A_66 : i32 to index
      %parallel_loop3A_68 = arith.index_cast %parallel_loop3A_41 : i32 to index
      %parallel_loop3A_69 = tpu.vector_load %arg14[%parallel_loop3A_67, %parallel_loop3A_68] {strides = array<i32>} : memref<16x640xf32, #tpu.memory_space<vmem>>, vector<16xf32>,
      %parallel_loop3A_70 = arith.addf %parallel_loop3A_65, %parallel_loop3A_69 : vector<16xf32>
      %parallel_loop3A_71 = arith.constant 6 : i32
      %parallel_loop3A_72 = arith.index_cast %parallel_loop3A_71 : i32 to index
      %parallel_loop3A_73 = arith.index_cast %parallel_loop3A_41 : i32 to index
      %parallel_loop3A_74 = tpu.vector_load %arg14[%parallel_loop3A_72, %parallel_loop3A_73] {strides = array<i32>} : memref<16x640xf32, #tpu.memory_space<vmem>>, vector<16xf32>,
      %parallel_loop3A_75 = arith.addf %parallel_loop3A_70, %parallel_loop3A_74 : vector<16xf32>
      %parallel_loop3A_76 = arith.constant 7 : i32
      %parallel_loop3A_77 = arith.index_cast %parallel_loop3A_76 : i32 to index
      %parallel_loop3A_78 = arith.index_cast %parallel_loop3A_41 : i32 to index
      %parallel_loop3A_79 = tpu.vector_load %arg14[%parallel_loop3A_77, %parallel_loop3A_78] {strides = array<i32>} : memref<16x640xf32, #tpu.memory_space<vmem>>, vector<16xf32>,
      %parallel_loop3A_80 = arith.addf %parallel_loop3A_75, %parallel_loop3A_79 : vector<16xf32>
      %parallel_loop3A_81 = arith.constant 8 : i32
      %parallel_loop3A_82 = arith.index_cast %parallel_loop3A_81 : i32 to index
      %parallel_loop3A_83 = arith.index_cast %parallel_loop3A_41 : i32 to index
      %parallel_loop3A_84 = tpu.vector_load %arg14[%parallel_loop3A_82, %parallel_loop3A_83] {strides = array<i32>} : memref<16x640xf32, #tpu.memory_space<vmem>>, vector<16xf32>,
      %parallel_loop3A_85 = arith.addf %parallel_loop3A_80, %parallel_loop3A_84 : vector<16xf32>
      %parallel_loop3A_86 = arith.constant 9 : i32
      %parallel_loop3A_87 = arith.index_cast %parallel_loop3A_86 : i32 to index
      %parallel_loop3A_88 = arith.index_cast %parallel_loop3A_41 : i32 to index
      %parallel_loop3A_89 = tpu.vector_load %arg14[%parallel_loop3A_87, %parallel_loop3A_88] {strides = array<i32>} : memref<16x640xf32, #tpu.memory_space<vmem>>, vector<16xf32>,
      %parallel_loop3A_90 = arith.addf %parallel_loop3A_85, %parallel_loop3A_89 : vector<16xf32>
      %parallel_loop3A_91 = arith.constant 10 : i32
      %parallel_loop3A_92 = arith.index_cast %parallel_loop3A_91 : i32 to index
      %parallel_loop3A_93 = arith.index_cast %parallel_loop3A_41 : i32 to index
      %parallel_loop3A_94 = tpu.vector_load %arg14[%parallel_loop3A_92, %parallel_loop3A_93] {strides = array<i32>} : memref<16x640xf32, #tpu.memory_space<vmem>>, vector<16xf32>,
      %parallel_loop3A_95 = arith.addf %parallel_loop3A_90, %parallel_loop3A_94 : vector<16xf32>
      %parallel_loop3A_96 = arith.constant 11 : i32
      %parallel_loop3A_97 = arith.index_cast %parallel_loop3A_96 : i32 to index
      %parallel_loop3A_98 = arith.index_cast %parallel_loop3A_41 : i32 to index
      %parallel_loop3A_99 = tpu.vector_load %arg14[%parallel_loop3A_97, %parallel_loop3A_98] {strides = array<i32>} : memref<16x640xf32, #tpu.memory_space<vmem>>, vector<16xf32>,
      %parallel_loop3A_100 = arith.addf %parallel_loop3A_95, %parallel_loop3A_99 : vector<16xf32>
      %parallel_loop3A_101 = arith.constant 12 : i32
      %parallel_loop3A_102 = arith.index_cast %parallel_loop3A_101 : i32 to index
      %parallel_loop3A_103 = arith.index_cast %parallel_loop3A_41 : i32 to index
      %parallel_loop3A_104 = tpu.vector_load %arg14[%parallel_loop3A_102, %parallel_loop3A_103] {strides = array<i32>} : memref<16x640xf32, #tpu.memory_space<vmem>>, vector<16xf32>,
      %parallel_loop3A_105 = arith.addf %parallel_loop3A_100, %parallel_loop3A_104 : vector<16xf32>
      %parallel_loop3A_106 = arith.constant 13 : i32
      %parallel_loop3A_107 = arith.index_cast %parallel_loop3A_106 : i32 to index
      %parallel_loop3A_108 = arith.index_cast %parallel_loop3A_41 : i32 to index
      %parallel_loop3A_109 = tpu.vector_load %arg14[%parallel_loop3A_107, %parallel_loop3A_108] {strides = array<i32>} : memref<16x640xf32, #tpu.memory_space<vmem>>, vector<16xf32>,
      %parallel_loop3A_110 = arith.addf %parallel_loop3A_105, %parallel_loop3A_109 : vector<16xf32>
      %parallel_loop3A_111 = arith.constant 14 : i32
      %parallel_loop3A_112 = arith.index_cast %parallel_loop3A_111 : i32 to index
      %parallel_loop3A_113 = arith.index_cast %parallel_loop3A_41 : i32 to index
      %parallel_loop3A_114 = tpu.vector_load %arg14[%parallel_loop3A_112, %parallel_loop3A_113] {strides = array<i32>} : memref<16x640xf32, #tpu.memory_space<vmem>>, vector<16xf32>,
      %parallel_loop3A_115 = arith.addf %parallel_loop3A_110, %parallel_loop3A_114 : vector<16xf32>
      %parallel_loop3A_116 = arith.constant 15 : i32
      %parallel_loop3A_117 = arith.index_cast %parallel_loop3A_116 : i32 to index
      %parallel_loop3A_118 = arith.index_cast %parallel_loop3A_41 : i32 to index
      %parallel_loop3A_119 = tpu.vector_load %arg14[%parallel_loop3A_117, %parallel_loop3A_118] {strides = array<i32>} : memref<16x640xf32, #tpu.memory_space<vmem>>, vector<16xf32>,
      %parallel_loop3A_120 = arith.addf %parallel_loop3A_115, %parallel_loop3A_119 : vector<16xf32>
      %parallel_loop3A_121 = arith.index_cast %parallel_loop3A_41 : i32 to index
      %parallel_loop3A_122 = tpu.vector_load %arg15[%parallel_loop3A_121] {strides = array<i32>} : memref<640xf32, #tpu.memory_space<vmem>>, vector<16xf32>,
      tpu.vector_store %arg15[%parallel_loop3A_121], %parallel_loop3A_120 {strides = array<i32>} : memref<640xf32, #tpu.memory_space<vmem>>, vector<16xf32>,
    } {sc.loop_unroll_factor = 2 : i64, sc.parallel_access}
    %mul3A_27 = arith.constant 3 : i32
    %mul3A_28 = arith.muli %arg0, %mul3A_27 : i32
    %add3A_29 = arith.constant 1 : i32
    %add3A_30 = arith.addi %mul3A_28, %add3A_29 : i32
    "tpu.region"() ({
      %run_scoped3A_39 = tpu.sem_alloc : memref<!tpu.dma_semaphore, #tpu.memory_space<semaphore_mem>>
      %dma_start3A = tpu.memref_slice %arg6[%add3A_30, %mul3A_14] : memref<6x10240xf32, #tpu.memory_space<hbm>> -> memref<1x640xf32, #tpu.memory_space<hbm>>
      %dma_start3A_40 = tpu.memref_squeeze %dma_start3A : memref<1x640xf32, #tpu.memory_space<hbm>> -> memref<640xf32, #tpu.memory_space<hbm>>
      %dma_start3A_41 = tpu.memref_slice %arg6[%add3A_30, %mul3A_14] : memref<6x10240xf32, #tpu.memory_space<hbm>> -> memref<1x640xf32, #tpu.memory_space<hbm>>
      %dma_start3A_42 = tpu.memref_squeeze %dma_start3A_41 : memref<1x640xf32, #tpu.memory_space<hbm>> -> memref<640xf32, #tpu.memory_space<hbm>>
      tpu.enqueue_dma source(%arg15 : memref<640xf32, #tpu.memory_space<vmem>>) target(%dma_start3A_42 : memref<640xf32, #tpu.memory_space<hbm>>) target_semaphore(%run_scoped3A_39 : memref<!tpu.dma_semaphore, #tpu.memory_space<semaphore_mem>>)
      %dma_wait3A = tpu.memref_slice %arg6[%add3A_30, %mul3A_14] : memref<6x10240xf32, #tpu.memory_space<hbm>> -> memref<1x640xf32, #tpu.memory_space<hbm>>
      %dma_wait3A_43 = tpu.memref_squeeze %dma_wait3A : memref<1x640xf32, #tpu.memory_space<hbm>> -> memref<640xf32, #tpu.memory_space<hbm>>
      %dma_wait3A_44 = tpu.memref_slice %arg6[%add3A_30, %mul3A_14] : memref<6x10240xf32, #tpu.memory_space<hbm>> -> memref<1x640xf32, #tpu.memory_space<hbm>>
      %dma_wait3A_45 = tpu.memref_squeeze %dma_wait3A_44 : memref<1x640xf32, #tpu.memory_space<hbm>> -> memref<640xf32, #tpu.memory_space<hbm>>
      tpu.wait_dma2 semaphore(%run_scoped3A_39 : memref<!tpu.dma_semaphore, #tpu.memory_space<semaphore_mem>>) src(%arg15 : memref<640xf32, #tpu.memory_space<vmem>>) dst(%dma_wait3A_45 : memref<640xf32, #tpu.memory_space<hbm>>)
      tpu.yield
    }) : () -> ()
    %run_scoped3A_31 = arith.constant 2 : i32
    "tpu.region"() ({
      %run_scoped3A_39 = tpu.sem_alloc : memref<!tpu.dma_semaphore, #tpu.memory_space<semaphore_mem>>
      %dma_start3A = arith.constant 0 : i32
      %dma_start3A_40 = tpu.memref_slice %arg16[%run_scoped3A_31, %dma_start3A, %mul3A_14] : memref<3x16x10240xf32, #tpu.memory_space<vmem_shared>> -> memref<1x16x640xf32, #tpu.memory_space<vmem_shared>>
      %dma_start3A_41 = tpu.memref_squeeze %dma_start3A_40 : memref<1x16x640xf32, #tpu.memory_space<vmem_shared>> -> memref<16x640xf32, #tpu.memory_space<vmem_shared>>
      %dma_start3A_42 = arith.constant 0 : i32
      %dma_start3A_43 = tpu.memref_slice %arg16[%run_scoped3A_31, %dma_start3A_42, %mul3A_14] : memref<3x16x10240xf32, #tpu.memory_space<vmem_shared>> -> memref<1x16x640xf32, #tpu.memory_space<vmem_shared>>
      %dma_start3A_44 = tpu.memref_squeeze %dma_start3A_43 : memref<1x16x640xf32, #tpu.memory_space<vmem_shared>> -> memref<16x640xf32, #tpu.memory_space<vmem_shared>>
      tpu.enqueue_dma source(%dma_start3A_44 : memref<16x640xf32, #tpu.memory_space<vmem_shared>>) target(%arg14 : memref<16x640xf32, #tpu.memory_space<vmem>>) target_semaphore(%run_scoped3A_39 : memref<!tpu.dma_semaphore, #tpu.memory_space<semaphore_mem>>)
      %dma_wait3A = arith.constant 0 : i32
      %dma_wait3A_45 = tpu.memref_slice %arg16[%run_scoped3A_31, %dma_wait3A, %mul3A_14] : memref<3x16x10240xf32, #tpu.memory_space<vmem_shared>> -> memref<1x16x640xf32, #tpu.memory_space<vmem_shared>>
      %dma_wait3A_46 = tpu.memref_squeeze %dma_wait3A_45 : memref<1x16x640xf32, #tpu.memory_space<vmem_shared>> -> memref<16x640xf32, #tpu.memory_space<vmem_shared>>
      %dma_wait3A_47 = arith.constant 0 : i32
      %dma_wait3A_48 = tpu.memref_slice %arg16[%run_scoped3A_31, %dma_wait3A_47, %mul3A_14] : memref<3x16x10240xf32, #tpu.memory_space<vmem_shared>> -> memref<1x16x640xf32, #tpu.memory_space<vmem_shared>>
      %dma_wait3A_49 = tpu.memref_squeeze %dma_wait3A_48 : memref<1x16x640xf32, #tpu.memory_space<vmem_shared>> -> memref<16x640xf32, #tpu.memory_space<vmem_shared>>
      tpu.wait_dma2 semaphore(%run_scoped3A_39 : memref<!tpu.dma_semaphore, #tpu.memory_space<semaphore_mem>>) src(%dma_wait3A_49 : memref<16x640xf32, #tpu.memory_space<vmem_shared>>) dst(%arg14 : memref<16x640xf32, #tpu.memory_space<vmem>>)
      tpu.yield
    }) : () -> ()
    %parallel_loop3A_32 = arith.constant 0 : i32
    %parallel_loop3A_33 = arith.constant 40 : i32
    %parallel_loop3A_34 = arith.constant 1 : i32
    scf.for %parallel_loop3A_39 = %parallel_loop3A_32 to %parallel_loop3A_33 step %parallel_loop3A_34  : i32 {
      %parallel_loop3A_40 = arith.constant 16 : i32
      %parallel_loop3A_41 = arith.muli %parallel_loop3A_39, %parallel_loop3A_40 : i32
      %parallel_loop3A_42 = arith.constant 0 : i32
      %parallel_loop3A_43 = arith.index_cast %parallel_loop3A_42 : i32 to index
      %parallel_loop3A_44 = arith.index_cast %parallel_loop3A_41 : i32 to index
      %parallel_loop3A_45 = tpu.vector_load %arg14[%parallel_loop3A_43, %parallel_loop3A_44] {strides = array<i32>} : memref<16x640xf32, #tpu.memory_space<vmem>>, vector<16xf32>,
      %parallel_loop3A_46 = arith.constant 1 : i32
      %parallel_loop3A_47 = arith.index_cast %parallel_loop3A_46 : i32 to index
      %parallel_loop3A_48 = arith.index_cast %parallel_loop3A_41 : i32 to index
      %parallel_loop3A_49 = tpu.vector_load %arg14[%parallel_loop3A_47, %parallel_loop3A_48] {strides = array<i32>} : memref<16x640xf32, #tpu.memory_space<vmem>>, vector<16xf32>,
      %parallel_loop3A_50 = arith.addf %parallel_loop3A_45, %parallel_loop3A_49 : vector<16xf32>
      %parallel_loop3A_51 = arith.constant 2 : i32
      %parallel_loop3A_52 = arith.index_cast %parallel_loop3A_51 : i32 to index
      %parallel_loop3A_53 = arith.index_cast %parallel_loop3A_41 : i32 to index
      %parallel_loop3A_54 = tpu.vector_load %arg14[%parallel_loop3A_52, %parallel_loop3A_53] {strides = array<i32>} : memref<16x640xf32, #tpu.memory_space<vmem>>, vector<16xf32>,
      %parallel_loop3A_55 = arith.addf %parallel_loop3A_50, %parallel_loop3A_54 : vector<16xf32>
      %parallel_loop3A_56 = arith.constant 3 : i32
      %parallel_loop3A_57 = arith.index_cast %parallel_loop3A_56 : i32 to index
      %parallel_loop3A_58 = arith.index_cast %parallel_loop3A_41 : i32 to index
      %parallel_loop3A_59 = tpu.vector_load %arg14[%parallel_loop3A_57, %parallel_loop3A_58] {strides = array<i32>} : memref<16x640xf32, #tpu.memory_space<vmem>>, vector<16xf32>,
      %parallel_loop3A_60 = arith.addf %parallel_loop3A_55, %parallel_loop3A_59 : vector<16xf32>
      %parallel_loop3A_61 = arith.constant 4 : i32
      %parallel_loop3A_62 = arith.index_cast %parallel_loop3A_61 : i32 to index
      %parallel_loop3A_63 = arith.index_cast %parallel_loop3A_41 : i32 to index
      %parallel_loop3A_64 = tpu.vector_load %arg14[%parallel_loop3A_62, %parallel_loop3A_63] {strides = array<i32>} : memref<16x640xf32, #tpu.memory_space<vmem>>, vector<16xf32>,
      %parallel_loop3A_65 = arith.addf %parallel_loop3A_60, %parallel_loop3A_64 : vector<16xf32>
      %parallel_loop3A_66 = arith.constant 5 : i32
      %parallel_loop3A_67 = arith.index_cast %parallel_loop3A_66 : i32 to index
      %parallel_loop3A_68 = arith.index_cast %parallel_loop3A_41 : i32 to index
      %parallel_loop3A_69 = tpu.vector_load %arg14[%parallel_loop3A_67, %parallel_loop3A_68] {strides = array<i32>} : memref<16x640xf32, #tpu.memory_space<vmem>>, vector<16xf32>,
      %parallel_loop3A_70 = arith.addf %parallel_loop3A_65, %parallel_loop3A_69 : vector<16xf32>
      %parallel_loop3A_71 = arith.constant 6 : i32
      %parallel_loop3A_72 = arith.index_cast %parallel_loop3A_71 : i32 to index
      %parallel_loop3A_73 = arith.index_cast %parallel_loop3A_41 : i32 to index
      %parallel_loop3A_74 = tpu.vector_load %arg14[%parallel_loop3A_72, %parallel_loop3A_73] {strides = array<i32>} : memref<16x640xf32, #tpu.memory_space<vmem>>, vector<16xf32>,
      %parallel_loop3A_75 = arith.addf %parallel_loop3A_70, %parallel_loop3A_74 : vector<16xf32>
      %parallel_loop3A_76 = arith.constant 7 : i32
      %parallel_loop3A_77 = arith.index_cast %parallel_loop3A_76 : i32 to index
      %parallel_loop3A_78 = arith.index_cast %parallel_loop3A_41 : i32 to index
      %parallel_loop3A_79 = tpu.vector_load %arg14[%parallel_loop3A_77, %parallel_loop3A_78] {strides = array<i32>} : memref<16x640xf32, #tpu.memory_space<vmem>>, vector<16xf32>,
      %parallel_loop3A_80 = arith.addf %parallel_loop3A_75, %parallel_loop3A_79 : vector<16xf32>
      %parallel_loop3A_81 = arith.constant 8 : i32
      %parallel_loop3A_82 = arith.index_cast %parallel_loop3A_81 : i32 to index
      %parallel_loop3A_83 = arith.index_cast %parallel_loop3A_41 : i32 to index
      %parallel_loop3A_84 = tpu.vector_load %arg14[%parallel_loop3A_82, %parallel_loop3A_83] {strides = array<i32>} : memref<16x640xf32, #tpu.memory_space<vmem>>, vector<16xf32>,
      %parallel_loop3A_85 = arith.addf %parallel_loop3A_80, %parallel_loop3A_84 : vector<16xf32>
      %parallel_loop3A_86 = arith.constant 9 : i32
      %parallel_loop3A_87 = arith.index_cast %parallel_loop3A_86 : i32 to index
      %parallel_loop3A_88 = arith.index_cast %parallel_loop3A_41 : i32 to index
      %parallel_loop3A_89 = tpu.vector_load %arg14[%parallel_loop3A_87, %parallel_loop3A_88] {strides = array<i32>} : memref<16x640xf32, #tpu.memory_space<vmem>>, vector<16xf32>,
      %parallel_loop3A_90 = arith.addf %parallel_loop3A_85, %parallel_loop3A_89 : vector<16xf32>
      %parallel_loop3A_91 = arith.constant 10 : i32
      %parallel_loop3A_92 = arith.index_cast %parallel_loop3A_91 : i32 to index
      %parallel_loop3A_93 = arith.index_cast %parallel_loop3A_41 : i32 to index
      %parallel_loop3A_94 = tpu.vector_load %arg14[%parallel_loop3A_92, %parallel_loop3A_93] {strides = array<i32>} : memref<16x640xf32, #tpu.memory_space<vmem>>, vector<16xf32>,
      %parallel_loop3A_95 = arith.addf %parallel_loop3A_90, %parallel_loop3A_94 : vector<16xf32>
      %parallel_loop3A_96 = arith.constant 11 : i32
      %parallel_loop3A_97 = arith.index_cast %parallel_loop3A_96 : i32 to index
      %parallel_loop3A_98 = arith.index_cast %parallel_loop3A_41 : i32 to index
      %parallel_loop3A_99 = tpu.vector_load %arg14[%parallel_loop3A_97, %parallel_loop3A_98] {strides = array<i32>} : memref<16x640xf32, #tpu.memory_space<vmem>>, vector<16xf32>,
      %parallel_loop3A_100 = arith.addf %parallel_loop3A_95, %parallel_loop3A_99 : vector<16xf32>
      %parallel_loop3A_101 = arith.constant 12 : i32
      %parallel_loop3A_102 = arith.index_cast %parallel_loop3A_101 : i32 to index
      %parallel_loop3A_103 = arith.index_cast %parallel_loop3A_41 : i32 to index
      %parallel_loop3A_104 = tpu.vector_load %arg14[%parallel_loop3A_102, %parallel_loop3A_103] {strides = array<i32>} : memref<16x640xf32, #tpu.memory_space<vmem>>, vector<16xf32>,
      %parallel_loop3A_105 = arith.addf %parallel_loop3A_100, %parallel_loop3A_104 : vector<16xf32>
      %parallel_loop3A_106 = arith.constant 13 : i32
      %parallel_loop3A_107 = arith.index_cast %parallel_loop3A_106 : i32 to index
      %parallel_loop3A_108 = arith.index_cast %parallel_loop3A_41 : i32 to index
      %parallel_loop3A_109 = tpu.vector_load %arg14[%parallel_loop3A_107, %parallel_loop3A_108] {strides = array<i32>} : memref<16x640xf32, #tpu.memory_space<vmem>>, vector<16xf32>,
      %parallel_loop3A_110 = arith.addf %parallel_loop3A_105, %parallel_loop3A_109 : vector<16xf32>
      %parallel_loop3A_111 = arith.constant 14 : i32
      %parallel_loop3A_112 = arith.index_cast %parallel_loop3A_111 : i32 to index
      %parallel_loop3A_113 = arith.index_cast %parallel_loop3A_41 : i32 to index
      %parallel_loop3A_114 = tpu.vector_load %arg14[%parallel_loop3A_112, %parallel_loop3A_113] {strides = array<i32>} : memref<16x640xf32, #tpu.memory_space<vmem>>, vector<16xf32>,
      %parallel_loop3A_115 = arith.addf %parallel_loop3A_110, %parallel_loop3A_114 : vector<16xf32>
      %parallel_loop3A_116 = arith.constant 15 : i32
      %parallel_loop3A_117 = arith.index_cast %parallel_loop3A_116 : i32 to index
      %parallel_loop3A_118 = arith.index_cast %parallel_loop3A_41 : i32 to index
      %parallel_loop3A_119 = tpu.vector_load %arg14[%parallel_loop3A_117, %parallel_loop3A_118] {strides = array<i32>} : memref<16x640xf32, #tpu.memory_space<vmem>>, vector<16xf32>,
      %parallel_loop3A_120 = arith.addf %parallel_loop3A_115, %parallel_loop3A_119 : vector<16xf32>
      %parallel_loop3A_121 = arith.index_cast %parallel_loop3A_41 : i32 to index
      %parallel_loop3A_122 = tpu.vector_load %arg15[%parallel_loop3A_121] {strides = array<i32>} : memref<640xf32, #tpu.memory_space<vmem>>, vector<16xf32>,
      tpu.vector_store %arg15[%parallel_loop3A_121], %parallel_loop3A_120 {strides = array<i32>} : memref<640xf32, #tpu.memory_space<vmem>>, vector<16xf32>,
    } {sc.loop_unroll_factor = 2 : i64, sc.parallel_access}
    %mul3A_35 = arith.constant 3 : i32
    %mul3A_36 = arith.muli %arg0, %mul3A_35 : i32
    %add3A_37 = arith.constant 2 : i32
    %add3A_38 = arith.addi %mul3A_36, %add3A_37 : i32
    "tpu.region"() ({
      %run_scoped3A_39 = tpu.sem_alloc : memref<!tpu.dma_semaphore, #tpu.memory_space<semaphore_mem>>
      %dma_start3A = tpu.memref_slice %arg6[%add3A_38, %mul3A_14] : memref<6x10240xf32, #tpu.memory_space<hbm>> -> memref<1x640xf32, #tpu.memory_space<hbm>>
      %dma_start3A_40 = tpu.memref_squeeze %dma_start3A : memref<1x640xf32, #tpu.memory_space<hbm>> -> memref<640xf32, #tpu.memory_space<hbm>>
      %dma_start3A_41 = tpu.memref_slice %arg6[%add3A_38, %mul3A_14] : memref<6x10240xf32, #tpu.memory_space<hbm>> -> memref<1x640xf32, #tpu.memory_space<hbm>>
      %dma_start3A_42 = tpu.memref_squeeze %dma_start3A_41 : memref<1x640xf32, #tpu.memory_space<hbm>> -> memref<640xf32, #tpu.memory_space<hbm>>
      tpu.enqueue_dma source(%arg15 : memref<640xf32, #tpu.memory_space<vmem>>) target(%dma_start3A_42 : memref<640xf32, #tpu.memory_space<hbm>>) target_semaphore(%run_scoped3A_39 : memref<!tpu.dma_semaphore, #tpu.memory_space<semaphore_mem>>)
      %dma_wait3A = tpu.memref_slice %arg6[%add3A_38, %mul3A_14] : memref<6x10240xf32, #tpu.memory_space<hbm>> -> memref<1x640xf32, #tpu.memory_space<hbm>>
      %dma_wait3A_43 = tpu.memref_squeeze %dma_wait3A : memref<1x640xf32, #tpu.memory_space<hbm>> -> memref<640xf32, #tpu.memory_space<hbm>>
      %dma_wait3A_44 = tpu.memref_slice %arg6[%add3A_38, %mul3A_14] : memref<6x10240xf32, #tpu.memory_space<hbm>> -> memref<1x640xf32, #tpu.memory_space<hbm>>
      %dma_wait3A_45 = tpu.memref_squeeze %dma_wait3A_44 : memref<1x640xf32, #tpu.memory_space<hbm>> -> memref<640xf32, #tpu.memory_space<hbm>>
      tpu.wait_dma2 semaphore(%run_scoped3A_39 : memref<!tpu.dma_semaphore, #tpu.memory_space<semaphore_mem>>) src(%arg15 : memref<640xf32, #tpu.memory_space<vmem>>) dst(%dma_wait3A_45 : memref<640xf32, #tpu.memory_space<hbm>>)
      tpu.yield
    }) : () -> ()
    return
  }
}

module attributes {stable_mosaic.version = 14 : i64} {
  func.func @_tc_scalars_body(%arg0: memref<10240x128xf32, #tpu.memory_space<vmem>>, %arg1: memref<2x320000xi32, #tpu.memory_space<vmem>>, %arg2: memref<128x128xf32, #tpu.memory_space<vmem>>, %arg3: memref<128x128xf32, #tpu.memory_space<vmem>>, %arg4: memref<256x64xf32, #tpu.memory_space<vmem>>, %arg5: memref<64x1xf32, #tpu.memory_space<vmem>>, %arg6: memref<1x128xf32, #tpu.memory_space<vmem>>, %arg7: memref<1x64xf32, #tpu.memory_space<vmem>>, %arg8: memref<1x1xf32, #tpu.memory_space<vmem>>, %arg9: memref<10240xf32, #tpu.memory_space<vmem>>, %arg10: memref<10240xf32, #tpu.memory_space<vmem>>, %arg11: memref<10240xf32, #tpu.memory_space<vmem>>, %arg12: memref<10240xf32, #tpu.memory_space<vmem>>, %arg13: memref<320000xi32, #tpu.memory_space<vmem>>, %arg14: memref<320000xi32, #tpu.memory_space<vmem>>) attributes {dimension_semantics = [], scalar_prefetch = 0 : i64, scratch_operands = 0 : i64, tpu.core_type = #tpu.core_type<tc>} {
    %get3A = arith.constant 0 : index
    %get3A_0 = arith.constant 0 : index
    %get3A_1 = vector.load %arg4[%get3A, %get3A_0] : memref<256x64xf32, #tpu.memory_space<vmem>>, vector<256x64xf32>
    %get3A_2 = arith.constant 0 : index
    %get3A_3 = arith.constant 0 : index
    %get3A_4 = vector.load %arg5[%get3A_2, %get3A_3] : memref<64x1xf32, #tpu.memory_space<vmem>>, vector<64x1xf32>
    %dot_general3A = arith.constant dense<0.000000e+00> : vector<256x1xf32>
    %dot_general3A_5 = tpu.matmul %get3A_1, %get3A_4, %dot_general3A {dimension_numbers = #tpu.dot_dimension_numbers<[1], [0], [0], [1], [0, 0, 1, 1], [], []>, precision = #tpu.contract_precision<fp32>, transpose_lhs_hint = false} : vector<256x64xf32>, vector<64x1xf32>, vector<256x1xf32> -> vector<256x1xf32>
    %slice3A = vector.extract_strided_slice %dot_general3A_5 {offsets = [0, 0], sizes = [128, 1], strides = [1, 1]} : vector<256x1xf32> to vector<128x1xf32>
    %slice3A_6 = vector.extract_strided_slice %dot_general3A_5 {offsets = [128, 0], sizes = [128, 1], strides = [1, 1]} : vector<256x1xf32> to vector<128x1xf32>
    %get3A_7 = arith.constant 0 : index
    %get3A_8 = arith.constant 0 : index
    %get3A_9 = vector.load %arg2[%get3A_7, %get3A_8] : memref<128x128xf32, #tpu.memory_space<vmem>>, vector<128x128xf32>
    %dot_general3A_10 = arith.constant dense<0.000000e+00> : vector<128x1xf32>
    %dot_general3A_11 = tpu.matmul %get3A_9, %slice3A, %dot_general3A_10 {dimension_numbers = #tpu.dot_dimension_numbers<[1], [0], [0], [1], [0, 0, 1, 1], [], []>, precision = #tpu.contract_precision<fp32>, transpose_lhs_hint = false} : vector<128x128xf32>, vector<128x1xf32>, vector<128x1xf32> -> vector<128x1xf32>
    %get3A_12 = arith.constant 0 : index
    %get3A_13 = arith.constant 0 : index
    %get3A_14 = vector.load %arg2[%get3A_12, %get3A_13] : memref<128x128xf32, #tpu.memory_space<vmem>>, vector<128x128xf32>
    %dot_general3A_15 = arith.constant dense<0.000000e+00> : vector<128x1xf32>
    %dot_general3A_16 = tpu.matmul %get3A_14, %slice3A_6, %dot_general3A_15 {dimension_numbers = #tpu.dot_dimension_numbers<[1], [0], [0], [1], [0, 0, 1, 1], [], []>, precision = #tpu.contract_precision<fp32>, transpose_lhs_hint = false} : vector<128x128xf32>, vector<128x1xf32>, vector<128x1xf32> -> vector<128x1xf32>
    %get3A_17 = arith.constant 0 : index
    %get3A_18 = arith.constant 0 : index
    %get3A_19 = vector.load %arg3[%get3A_17, %get3A_18] : memref<128x128xf32, #tpu.memory_space<vmem>>, vector<128x128xf32>
    %dot_general3A_20 = arith.constant dense<0.000000e+00> : vector<128x1xf32>
    %dot_general3A_21 = tpu.matmul %get3A_19, %slice3A, %dot_general3A_20 {dimension_numbers = #tpu.dot_dimension_numbers<[1], [0], [0], [1], [0, 0, 1, 1], [], []>, precision = #tpu.contract_precision<fp32>, transpose_lhs_hint = false} : vector<128x128xf32>, vector<128x1xf32>, vector<128x1xf32> -> vector<128x1xf32>
    %get3A_22 = arith.constant 0 : index
    %get3A_23 = arith.constant 0 : index
    %get3A_24 = vector.load %arg3[%get3A_22, %get3A_23] : memref<128x128xf32, #tpu.memory_space<vmem>>, vector<128x128xf32>
    %dot_general3A_25 = arith.constant dense<0.000000e+00> : vector<128x1xf32>
    %dot_general3A_26 = tpu.matmul %get3A_24, %slice3A_6, %dot_general3A_25 {dimension_numbers = #tpu.dot_dimension_numbers<[1], [0], [0], [1], [0, 0, 1, 1], [], []>, precision = #tpu.contract_precision<fp32>, transpose_lhs_hint = false} : vector<128x128xf32>, vector<128x1xf32>, vector<128x1xf32> -> vector<128x1xf32>
    %concatenate3A = tpu.concatenate %dot_general3A_11, %dot_general3A_16, %dot_general3A_21, %dot_general3A_26 in 1 : vector<128x1xf32>, vector<128x1xf32>, vector<128x1xf32>, vector<128x1xf32> -> vector<128x4xf32>
    %get3A_27 = arith.constant 0 : index
    %get3A_28 = arith.constant 0 : index
    %get3A_29 = vector.load %arg0[%get3A_27, %get3A_28] : memref<10240x128xf32, #tpu.memory_space<vmem>>, vector<10240x128xf32>
    %dot_general3A_30 = arith.constant dense<0.000000e+00> : vector<4x10240xf32>
    %dot_general3A_31 = tpu.matmul %concatenate3A, %get3A_29, %dot_general3A_30 {dimension_numbers = #tpu.dot_dimension_numbers<[0], [1], [1], [0], [0, 1, 1, 0], [], []>, precision = #tpu.contract_precision<fp32>, transpose_lhs_hint = false} : vector<128x4xf32>, vector<10240x128xf32>, vector<4x10240xf32> -> vector<4x10240xf32>
    %get3A_32 = arith.constant 0 : index
    %get3A_33 = arith.constant 0 : index
    %get3A_34 = vector.load %arg6[%get3A_32, %get3A_33] : memref<1x128xf32, #tpu.memory_space<vmem>>, vector<1x128xf32>
    %dot_general3A_35 = arith.constant dense<0.000000e+00> : vector<1x1xf32>
    %dot_general3A_36 = tpu.matmul %get3A_34, %slice3A, %dot_general3A_35 {dimension_numbers = #tpu.dot_dimension_numbers<[1], [0], [0], [1], [0, 0, 1, 1], [], []>, precision = #tpu.contract_precision<fp32>, transpose_lhs_hint = false} : vector<1x128xf32>, vector<128x1xf32>, vector<1x1xf32> -> vector<1x1xf32>
    %squeeze3A = vector.extract %dot_general3A_36[0, 0] : f32 from vector<1x1xf32>
    %get3A_37 = arith.constant 0 : index
    %get3A_38 = arith.constant 0 : index
    %get3A_39 = vector.load %arg7[%get3A_37, %get3A_38] : memref<1x64xf32, #tpu.memory_space<vmem>>, vector<1x64xf32>
    %get3A_40 = arith.constant 0 : index
    %get3A_41 = arith.constant 0 : index
    %get3A_42 = vector.load %arg5[%get3A_40, %get3A_41] : memref<64x1xf32, #tpu.memory_space<vmem>>, vector<64x1xf32>
    %dot_general3A_43 = arith.constant dense<0.000000e+00> : vector<1x1xf32>
    %dot_general3A_44 = tpu.matmul %get3A_39, %get3A_42, %dot_general3A_43 {dimension_numbers = #tpu.dot_dimension_numbers<[1], [0], [0], [1], [0, 0, 1, 1], [], []>, precision = #tpu.contract_precision<fp32>, transpose_lhs_hint = false} : vector<1x64xf32>, vector<64x1xf32>, vector<1x1xf32> -> vector<1x1xf32>
    %squeeze3A_45 = vector.extract %dot_general3A_44[0, 0] : f32 from vector<1x1xf32>
    %add3A = arith.addf %squeeze3A, %squeeze3A_45 : f32
    %get3A_46 = arith.constant 0 : index
    %get3A_47 = arith.constant 0 : index
    %get3A_48 = vector.load %arg8[%get3A_46, %get3A_47] : memref<1x1xf32, #tpu.memory_space<vmem>>, vector<1x1xf32>
    %get3A_49 = vector.extract %get3A_48[0, 0] : f32 from vector<1x1xf32>
    %add3A_50 = arith.addf %add3A, %get3A_49 : f32
    %get3A_51 = arith.constant 0 : index
    %get3A_52 = arith.constant 0 : index
    %get3A_53 = vector.load %arg6[%get3A_51, %get3A_52] : memref<1x128xf32, #tpu.memory_space<vmem>>, vector<1x128xf32>
    %dot_general3A_54 = arith.constant dense<0.000000e+00> : vector<1x1xf32>
    %dot_general3A_55 = tpu.matmul %get3A_53, %slice3A_6, %dot_general3A_54 {dimension_numbers = #tpu.dot_dimension_numbers<[1], [0], [0], [1], [0, 0, 1, 1], [], []>, precision = #tpu.contract_precision<fp32>, transpose_lhs_hint = false} : vector<1x128xf32>, vector<128x1xf32>, vector<1x1xf32> -> vector<1x1xf32>
    %squeeze3A_56 = vector.extract %dot_general3A_55[0, 0] : f32 from vector<1x1xf32>
    %slice3A_57 = vector.extract_strided_slice %dot_general3A_31 {offsets = [0, 0], sizes = [1, 10240], strides = [1, 1]} : vector<4x10240xf32> to vector<1x10240xf32>
    %squeeze3A_58 = vector.shape_cast %slice3A_57 : vector<1x10240xf32> to vector<10240xf32>
    %swap3A = arith.constant 0 : index
    %swap3A_59 = vector.load %arg9[%swap3A] : memref<10240xf32, #tpu.memory_space<vmem>>, vector<10240xf32>
    tpu.vector_store %arg9[%swap3A], %squeeze3A_58 {strides = array<i32>} : memref<10240xf32, #tpu.memory_space<vmem>>, vector<10240xf32>,
    %slice3A_60 = vector.extract_strided_slice %dot_general3A_31 {offsets = [1, 0], sizes = [1, 10240], strides = [1, 1]} : vector<4x10240xf32> to vector<1x10240xf32>
    %squeeze3A_61 = vector.shape_cast %slice3A_60 : vector<1x10240xf32> to vector<10240xf32>
    %swap3A_62 = arith.constant 0 : index
    %swap3A_63 = vector.load %arg10[%swap3A_62] : memref<10240xf32, #tpu.memory_space<vmem>>, vector<10240xf32>
    tpu.vector_store %arg10[%swap3A_62], %squeeze3A_61 {strides = array<i32>} : memref<10240xf32, #tpu.memory_space<vmem>>, vector<10240xf32>,
    %slice3A_64 = vector.extract_strided_slice %dot_general3A_31 {offsets = [2, 0], sizes = [1, 10240], strides = [1, 1]} : vector<4x10240xf32> to vector<1x10240xf32>
    %squeeze3A_65 = vector.shape_cast %slice3A_64 : vector<1x10240xf32> to vector<10240xf32>
    %add3A_66 = vector.broadcast %add3A_50 : f32 to vector<10240xf32>
    %add3A_67 = arith.addf %squeeze3A_65, %add3A_66 : vector<10240xf32>
    %swap3A_68 = arith.constant 0 : index
    %swap3A_69 = vector.load %arg11[%swap3A_68] : memref<10240xf32, #tpu.memory_space<vmem>>, vector<10240xf32>
    tpu.vector_store %arg11[%swap3A_68], %add3A_67 {strides = array<i32>} : memref<10240xf32, #tpu.memory_space<vmem>>, vector<10240xf32>,
    %slice3A_70 = vector.extract_strided_slice %dot_general3A_31 {offsets = [3, 0], sizes = [1, 10240], strides = [1, 1]} : vector<4x10240xf32> to vector<1x10240xf32>
    %squeeze3A_71 = vector.shape_cast %slice3A_70 : vector<1x10240xf32> to vector<10240xf32>
    %add3A_72 = vector.broadcast %squeeze3A_56 : f32 to vector<10240xf32>
    %add3A_73 = arith.addf %squeeze3A_71, %add3A_72 : vector<10240xf32>
    %swap3A_74 = arith.constant 0 : index
    %swap3A_75 = vector.load %arg12[%swap3A_74] : memref<10240xf32, #tpu.memory_space<vmem>>, vector<10240xf32>
    tpu.vector_store %arg12[%swap3A_74], %add3A_73 {strides = array<i32>} : memref<10240xf32, #tpu.memory_space<vmem>>, vector<10240xf32>,
    %get3A_76 = arith.constant 0 : index
    %get3A_77 = arith.constant 0 : index
    %get3A_78 = vector.load %arg1[%get3A_76, %get3A_77] : memref<2x320000xi32, #tpu.memory_space<vmem>>, vector<1x320000xi32>
    %get3A_79 = vector.shape_cast %get3A_78 : vector<1x320000xi32> to vector<320000xi32>
    %swap3A_80 = arith.constant 0 : index
    %swap3A_81 = vector.load %arg13[%swap3A_80] : memref<320000xi32, #tpu.memory_space<vmem>>, vector<320000xi32>
    tpu.vector_store %arg13[%swap3A_80], %get3A_79 {strides = array<i32>} : memref<320000xi32, #tpu.memory_space<vmem>>, vector<320000xi32>,
    %get3A_82 = arith.constant 1 : index
    %get3A_83 = arith.constant 0 : index
    %get3A_84 = vector.load %arg1[%get3A_82, %get3A_83] : memref<2x320000xi32, #tpu.memory_space<vmem>>, vector<1x320000xi32>
    %get3A_85 = vector.shape_cast %get3A_84 : vector<1x320000xi32> to vector<320000xi32>
    %swap3A_86 = arith.constant 0 : index
    %swap3A_87 = vector.load %arg14[%swap3A_86] : memref<320000xi32, #tpu.memory_space<vmem>>, vector<320000xi32>
    tpu.vector_store %arg14[%swap3A_86], %get3A_85 {strides = array<i32>} : memref<320000xi32, #tpu.memory_space<vmem>>, vector<320000xi32>,
    return
  }
}

</mosaic_0001>

<sc_bundles>
// kernel: kernel.5.cloned.1.call-start
scs
__scs_entry_jumppad:
0x0: {  	(pc) =	sbr.rel $0x88, $3  }
0x1: {  	(tag) =	ssettag $0x0;
	lr =	simm.s32 $0x1  }
0x2: {  	[smem:$0x3F98] =	sst lr;
	_ =	strace $0xD0000000  }
0x3: {  	_ = 	snop  }
0x4: {  	_ = 	snop  }
0x5: {  	_ = 	snop  }
0x6: {  	_ = 	snop  }
0x7: {  	_ = 	snop  }
__scs_overlays_trampoline_lowered:
0x8: {  	[smem:$0x3FA7] =	sst s0  }
0x9: {  	[smem:$0x3FA8] =	sst s1  }
0xa: {  	[smem:$0x3FA9] =	sst s2  }
0xb: {  	[smem:$0x3FAA] =	sst s3  }
0xc: {  	[smem:$0x3FAB] =	sst s4  }
0xd: {  	[smem:$0x3FAC] =	sst s5  }
0xe: {  	[smem:$0x3FAD] =	sst s6  }
0xf: {  	[smem:$0x3FAE] =	sst s7  }
0x10: {  	[smem:$0x3FAF] =	sst s8  }
0x11: {  	[smem:$0x3FB0] =	sst s9;
	s0 =	simm.s32 @!p0 $0x0  }
0x12: {  	s1 =	sld [smem:$0x3F96];
	s0 =	simm.s32 @p0 $0x1  }
0x13: {  	[smem:$0x3FB1] =	sst s0;
	s0 =	simm.s32 @!p1 $0x0  }
0x14: {  	s2 =	sld [smem:$0x3F95];
	s0 =	simm.s32 @p1 $0x1  }
0x15: {  	[smem:$0x3FB2] =	sst s0;
	s0 =	simm.s32 @!p2 $0x0  }
0x16: {  	s3 =	sld [smem:$0x3FDB];
	s0 =	simm.s32 @p2 $0x1  }
0x17: {  	s4 =	simm.s32 $0x1BF5;
	[smem:$0x3FB4] =	sst s0  }
0x18: {  	s0 =	sld [smem:$0x3F97];
	_ =	swait.ge [sflag:s4], $0x0  }
0x19: {  	s7 =	sld [smem:$0x3F98]  }
0x1a: {  	s8 =	sadd.s32 $0xFFFFE003, lr  }
0x1b: {  	s9 =	sadd.s32 $0xFFFFFEF7, lr;
	s5 =	simm.s32 $0xFFFFFFFF;
	p2 =	slt.u32 s8, $0xFFFFF086  }
0x1c: {  	p1 =	slt.u32 s9, $0xF7A;
	s5 =	simm.s32 @!p2 $0x0  }
0x1d: {  	s5 =	simm.s32 @p1 $0x1;
	p0 =	seq.s32 s7, s2  }
0x1e: {  	s7 =	smul.u32 @!p0 $0xF7A, s2;
	p2 =	seq.s32 @!p0 s5, $0x0  }
0x1f: {  	s9 =	smul.u32 $0xF7A, s1;
	s8 =	simm.s32 @!p0 $0x1BF5;
	p2 =	por !p2, p0  }
0x20: {  	[sflag:s8] =	ssyncset.s32 @!p0 $0xFFFFF086;
	s6 =	sadd.s32 @!p0 s3, s7;
	s7 =	simm.s32 @!p0 $0x108  }
0x21: {  	s3 =	sadd.s32 s3, s9;
	s6 =	sadd.s32 @!p0 $0x88, s6;
	s7 =	simm.s32 @p2 $0x1082  }
0x22: {  	[simem:s7], [sflag:s8] =	dma.local @!p0 [hbm:s6], $0xF7A  }
0x23: {  	s9 =	sor.u32 $0xD0000000, s2;
	s6 =	simm.s32 $0x108;
	_ =	swait.ge @!p0 [sflag:s8], $0x0  }
0x24: {  	s3 =	sadd.s32 $0x88, s3;
	s6 =	simm.s32 @!p1 $0x1082;
	[sflag:s4] =	ssyncset.s32 $0xFFFFF086  }
0x25: {  	[simem:s6], [sflag:s4] =	dma.local [hbm:s3], $0xF7A  }
0x26: {  	[smem:$0x3F98] =	sst s1;
	(tag) =	ssettag s2;
	_ =	strace s9  }
0x27: {  	s1 =	sld [smem:$0x3FA8]  }
0x28: {  	s2 =	sld [smem:$0x3FA9]  }
0x29: {  	s4 =	sld [smem:$0x3FAB]  }
0x2a: {  	p0 =	seq.s32 s5, $0x0;
	s5 =	sld [smem:$0x3FAC]  }
0x2b: {  	s6 =	sld [smem:$0x3FAD]  }
0x2c: {  	s7 =	sld [smem:$0x3FAE]  }
0x2d: {  	s3 =	simm.s32 $0x108;
	s8 =	sld [smem:$0x3FAF]  }
0x2e: {  	s3 =	simm.s32 @!p0 $0x1082;
	s9 =	sld [smem:$0x3FB0]  }
0x2f: {  	lr =	sadd.s32 s0, s3;
	s0 =	sld [smem:$0x3FA7]  }
0x30: {  	s3 =	sld [smem:$0x3FAA]  }
0x31: {  	[smem:$0x3FB3] =	sst s10  }
0x32: {  	s10 =	sld [smem:$0x3FB1];
	_ =	sdelay $0x3  }
0x33: {  	p0 =	seq.s32 s10, $0x1;
	s10 =	sld [smem:$0x3FB3];
	_ =	sdelay $0x3  }
0x34: {  	[smem:$0x3FB3] =	sst s10  }
0x35: {  	s10 =	sld [smem:$0x3FB2];
	_ =	sdelay $0x3  }
0x36: {  	p1 =	seq.s32 s10, $0x1;
	s10 =	sld [smem:$0x3FB3];
	_ =	sdelay $0x3  }
0x37: {  	[smem:$0x3FB3] =	sst s10  }
0x38: {  	s10 =	sld [smem:$0x3FB4]  }
0x39: {  	_ = 	snop;
	(pc) =	sbr.ind lr, $3  }
0x3a: {  	_ = 	snop  }
0x3b: {  	_ = 	snop  }
0x3c: {  	p2 =	seq.s32 s10, $0x1;
	s10 =	sld [smem:$0x3FB3]  }
0x3d: {  	_ =	shalt  }
0x3e: {  	_ =	shalt  }
0x3f: {  	_ =	shalt  }
0x40: {  	_ =	shalt  }
0x41: {  	_ =	shalt  }
0x42: {  	_ =	shalt  }
0x43: {  	_ =	shalt  }
0x44: {  	_ =	shalt  }
0x45: {  	_ =	shalt  }
0x46: {  	_ =	shalt  }
0x47: {  	_ =	shalt  }
0x48: {  	_ =	shalt  }
0x49: {  	_ =	shalt  }
0x4a: {  	_ =	shalt  }
0x4b: {  	_ =	shalt  }
0x4c: {  	_ =	shalt  }
0x4d: {  	_ =	shalt  }
0x4e: {  	_ =	shalt  }
0x4f: {  	_ =	shalt  }
0x50: {  	_ =	shalt  }
0x51: {  	_ =	shalt  }
0x52: {  	_ =	shalt  }
0x53: {  	_ =	shalt  }
0x54: {  	_ =	shalt  }
0x55: {  	_ =	shalt  }
0x56: {  	_ =	shalt  }
0x57: {  	_ =	shalt  }
0x58: {  	_ =	shalt  }
0x59: {  	_ =	shalt  }
0x5a: {  	_ =	shalt  }
0x5b: {  	_ =	shalt  }
0x5c: {  	_ =	shalt  }
0x5d: {  	_ =	shalt  }
0x5e: {  	_ =	shalt  }
0x5f: {  	_ =	shalt  }
0x60: {  	_ =	shalt  }
0x61: {  	_ =	shalt  }
0x62: {  	_ =	shalt  }
0x63: {  	_ =	shalt  }
0x64: {  	_ =	shalt  }
0x65: {  	_ =	shalt  }
0x66: {  	_ =	shalt  }
0x67: {  	_ =	shalt  }
0x68: {  	_ =	shalt  }
0x69: {  	_ =	shalt  }
0x6a: {  	_ =	shalt  }
0x6b: {  	_ =	shalt  }
0x6c: {  	_ =	shalt  }
0x6d: {  	_ =	shalt  }
0x6e: {  	_ =	shalt  }
0x6f: {  	_ =	shalt  }
0x70: {  	_ =	shalt  }
0x71: {  	_ =	shalt  }
0x72: {  	_ =	shalt  }
0x73: {  	_ =	shalt  }
0x74: {  	_ =	shalt  }
0x75: {  	_ =	shalt  }
0x76: {  	_ =	shalt  }
0x77: {  	_ =	shalt  }
0x78: {  	_ =	shalt  }
0x79: {  	_ =	shalt  }
0x7a: {  	_ =	shalt  }
0x7b: {  	_ =	shalt  }
0x7c: {  	_ =	shalt  }
0x7d: {  	_ =	shalt  }
0x7e: {  	_ =	shalt  }
0x7f: {  	_ =	shalt  }
0x80: {  	_ =	shalt  }
0x81: {  	_ =	shalt  }
0x82: {  	_ =	shalt  }
0x83: {  	_ =	shalt  }
0x84: {  	_ =	shalt  }
0x85: {  	_ =	shalt  }
0x86: {  	_ =	shalt  }
0x87: {  	_ =	shalt  }
.Lfunc_end0:
.L_simem_size_0:
called_computation_lowered:
.L_overlay_start_0:
0x88: {  	s2 =	sld [smem:$0x3FD9]  }
0x89: {  	s3 =	sld [smem:$0x3FFE];
	_ =	sdelay $0x1  }
0x8a: {  	s1 =	srdreg.scid  }
0x8b: {  	s0 =	sand.u32 $0x1, s1  }
0x8c: {  	s17 =	sshll.u32 s0, $0xA;
	s2 =	sadd.s32 s3, s2  }
0x8d: {  	s2 =	sadd.s32 s2, s17  }
0x8e: {  	[smem:$0x3FBF] =	sst s2  }
0x8f: {  	_ = 	snop  }
0x90: {  	s2 =	sld [smem:$0x3FD0];
	(tm) =	ssettm $0x1  }
0x91: {  	s18 =	sld [smem:$0x3FFB];
	_ =	sdelay $0x3  }
0x92: {  	_ =	strace s18  }
0x93: {  	s3 =	sld [smem:$0x3FFC];
	_ =	sdelay $0x3  }
0x94: {  	_ =	strace s3  }
0x95: {  	s3 =	sld [smem:$0x3FFD];
	_ =	sdelay $0x3  }
0x96: {  	_ =	strace s3  }
0x97: {  	_ =	strace $0x8FFFFFFF  }
0x98: {  	s19 =	sld [smem:$0x3FDB];
	_ =	sdelay $0x1  }
0x99: {  	s4 =	simm.s32 $_scs_section_size  }
0x9a: {  	s5 =	simm.s32 $_size__tile_overlayer_lowered;
	s6 =	simm.s32 $_tile_overlayer_lowered  }
0x9b: {  	s22 =	simm.s32 $0x1BFF;
	s21 =	sshll.u32 s6, $0x1;
	s3 =	sadd.s32 s4, s19  }
0x9c: {  	s7 =	simm.s32 $0x0;
	s20 =	sshll.u32 s5, $0x1;
	s5 =	sadd.s32 s21, s3  }
0x9d: {  	[timem:s7], [sflag:s22] =	dma.local [hbm:s5], s20  }
0x9e: {  	_ =	swait.ge [sflag:s22], s20  }
0x9f: {  	s4 =	ssub.s32 $0x0, s20;
	[sflag:s22] =	ssyncset.done $0x0  }
0xa0: {  	[sflag:s22] =	ssyncadd.s32 s4;
	_ =	sdelay $0x1  }
0xa1: {  	s23 =	simm.s32 $0x1B8B  }
0xa2: {  	_ =	swait.ge [sflag:s23], $0x1  }
0xa3: {  	[sflag:s23] =	ssyncset.done $0x0  }
0xa4: {  	s25 =	simm.s32 $0x1B8E;
	s24 =	sld [smem:$0x3FFE];
	[sflag:s23] =	ssyncadd.s32 $0xFFFFFFFF  }
0xa5: {  	s26 =	simm.s32 $execute0_lowered;
	[smem:$0x3FD2] =	sst s25  }
0xa6: {  	s5 =	sshll.u32 s26, $0x1;
	_ =	strace $0x80000046;
	[dreg:$0x1] =	wrdreg $0xFFFFFFFF  }
0xa7: {  	s28 =	simm.s32 $_size_execute0_lowered;
	s3 =	sadd.s32 s3, s5;
	[dreg:$0x0] =	wrdreg $0x0  }
0xa8: {  	s5 =	sshll.u32 s28, $0x1;
	[dreg:$0x2] =	wrdreg s3  }
0xa9: {  	[dreg:$0x3] =	wrdreg s5  }
0xaa: {  	[dreg:$0x4] =	wrdreg $0xC0  }
0xab: {  	_ =	task [dreg:s7], $0x5FFFF  }
0xac: {  	[dreg:$0x1] =	wrdreg $0xFFFFFFFF  }
0xad: {  	[dreg:$0x0] =	wrdreg $0x60  }
0xae: {  	[dreg:$0x2] =	wrdreg s24  }
0xaf: {  	[dreg:$0x3] =	wrdreg s2  }
0xb0: {  	[dreg:$0x4] =	wrdreg $0x140A00  }
0xb1: {  	[dreg:$0x5] =	wrdreg $0x9  }
0xb2: {  	_ =	task.clear_ibuf [dreg:s7], $0x6FFFF;
	_ =	strace $0x90000046  }
0xb3: {  	s29 =	simm.s32 $0x9;
	_ =	strace $0x80000048  }
0xb4: {  	_ =	swait.ge [sflag:s29], $0x1  }
0xb5: {  	[sflag:s29] =	ssyncadd.s32 $0xFFFFFFFF  }
0xb6: {  	_ =	strace $0x90000048  }
0xb7: {  	_ =	sfence  }
0xb8: {  	s30 =	sld [smem:$0x0];
	_ =	sdelay $0x2  }
0xb9: {  	s31 =	sshll.u32 s1, $0xD;
	s1 =	sshrl.u32 s1, $0x2  }
0xba: {  	s3 =	sand.u32 $0x4000, s31;
	s1 =	sadd.s32 s1, s30  }
0xbb: {  	s0 =	sor.u32 s3, s0;
	s1 =	sshll.u32 s1, $0x11  }
0xbc: {  	s0 =	sor.u32 s1, s0  }
0xbd: {  	s0 =	sadd.s32 $0x8F2B, s0  }
0xbe: {  	[sflag:s0] =	ssyncadd.remote.s32 $0x1  }
0xbf: {  	_ =	sfence.sel $0xFFFF  }
0xc0: {  	[dreg:$0x0] =	wrdreg $0xFFFFFFFF;
	(pc) =	sbr.abs _section_cstart, $3  }
0xc1: {  	[dreg:$0x1] =	wrdreg $0xFFFFFFFF  }
0xc2: {  	_ =	task.clear_ibuf [dreg:s7], $0x2FFFF;
	_ =	strace $0x9FFFFFFF  }
0xc3: {  	(tm) =	ssettm $0x7FFFFFFF  }
tec
execute0_lowered:
.L_overlay_start_1:
0x0: {  	(tag) =	ssettag $0x1  }
0x1: {  	s0 =	rddreg [dreg:$0x0]  }
0x2: {  	s1 =	srdreg.scid;
	s3 =	rddreg [dreg:$0x1]  }
0x3: {  	s8 =	stileid.u32;
	s4 =	rddreg [dreg:$0x2]  }
0x4: {  	s17 =	simm.s32 $0x1;
	s19 =	simm.s32 $0x4E20;
	s20 =	simm.s32 $0x7620  }
0x5: {  	s21 =	simm.s32 $0x9E20;
	s22 =	simm.s32 $0xC620;
	s23 =	simm.s32 $0xEE20  }
0x6: {  	s24 =	simm.s32 $0x280;
	s28 =	simm.s32 $0x13E20;
	s29 =	simm.s32 $0x0  }
0x7: {  	s1 =	sand.u32 $0x1, s1;
	s2 =	sshll.u32 s8, $0x1;
	s6 =	smul.u32 $0xA000, s8  }
0x8: {  	s18 =	simm.s32 $0x40;
	s9 =	smul.u32 $0x280, s8;
	s5 =	sor.u32 s1, s2  }
0x9: {  	s2 =	simm.s32 $0x0;
	s7 =	ssub.s32 $0x2, s1;
	s1 =	smul.u32 $0x7800, s1  }
0xa: {  	s10 =	sadd.s32 $0x15C00, s0;
	s5 =	smul.u32 $0x4E2, s5;
	[smem:$0x7FF] =	sst s2  }
0xb: {  	s26 =	sshrl.u32 s7, $0x1;
	s31 =	sshrl.u32 s6, $0x2;
	_ =	strace $0x80000047  }
0xc: {  	[dreg:$0x4] =	wrdreg s10;
	s30 =	ssub.s32 s7, s26;
	s1 =	sadd.s32 s9, s1  }
0xd: {  	s7 =	sadd.s32 s31, s4;
	s9 =	sadd.s32 s9, s4;
	s26 =	simm.s32 $0x11620  }
0xe: {  	s25 =	sadd.s32 s5, s0;
	s0 =	sadd.s32 $0x16200, s0;
	s1 =	sshrl.u32 s1, $0x3  }
0xf: {  	s8 =	sadd.s32 $0x28000, s7;
	s11 =	sadd.s32 $0x50000, s7;
	s12 =	sadd.s32 $0x28000, s9  }
0x10: {  	s14 =	sadd.s32 $0x50000, s9;
	s16 =	smax.u32 s30, $0x1;
	[dreg:$0x5] =	wrdreg s0  }
0x11: {  	s5 =	sadd.s32 $0x2000, s25;
	s6 =	sadd.s32 $0xBE00, s25;
	s10 =	sadd.s32 s3, s1  }
0x12: {  	v0 =	vimm.f32 $0.0e+00;
	v1 =	vimm.f32 $1.000000000e+00;
	s25 =	simm.s32 $0x2800;
	s13 =	sadd.s32 $0x500, s10;
	s15 =	sadd.s32 $0xA00, s10  }
.LBB2_1:
0x13: {  	[tilespmem:s2], [sflag:$0x1] =	stream.linear.gather [hbm4b:s5+s2], $0x2710, $0x38;
	[tilespmem:$0x1B8A0] =	vst v63  }
0x14: {  	_ =	swait.ge [sflag:s17], $0x2710  }
0x15: {  	[sflag:s17] =	ssyncset.done $0x0  }
0x16: {  	s0 =	simm.s32 $0x2710;
	[sflag:s17] =	ssyncadd.s32 $0xFFFFD8F0  }
0x17: {  	[tilespmem:s0], [sflag:$0x1] =	stream.linear.gather [hbm4b:s6+s2], $0x2710, $0x38;
	[tilespmem:$0x1B8A0] =	vst v63  }
0x18: {  	_ =	swait.ge [sflag:s17], $0x2710  }
0x19: {  	[sflag:s17] =	ssyncset.done $0x0  }
0x1a: {  	s3 =	rddreg [dreg:$0x4];
	[sflag:s17] =	ssyncadd.s32 $0xFFFFD8F0  }
0x1b: {  	[tilespmem:s19], [sflag:$0x1] =	stream.linear.gather [hbm4b:s3+s2], $0x2800, $0x38;
	[tilespmem:$0x1B8A0] =	vst v63  }
0x1c: {  	_ =	swait.ge [sflag:s17], $0x2800  }
0x1d: {  	[sflag:s17] =	ssyncset.done $0x0  }
0x1e: {  	s4 =	rddreg [dreg:$0x5];
	[sflag:s17] =	ssyncadd.s32 $0xFFFFD800  }
0x1f: {  	[tilespmem:s20], [sflag:$0x1] =	stream.linear.gather [hbm4b:s4+s2], $0x2800, $0x38;
	[tilespmem:$0x1B8A0] =	vst v63  }
0x20: {  	_ =	swait.ge [sflag:s17], $0x2800  }
0x21: {  	[sflag:s17] =	ssyncset.done $0x0  }
0x22: {  	s1 =	simm.s32 $0x9E60;
	[sflag:s17] =	ssyncadd.s32 $0xFFFFD800  }
0x23: {  	[tilespmem:s1+$0xFFFFFFD0] =	vst v0  }
0x24: {  	[tilespmem:s1+$0x0] =	vst v0  }
0x25: {  	[tilespmem:s1+$0xFFFFFFC0] =	vst v0  }
0x26: {  	[tilespmem:s1+$0x30] =	vst v0  }
0x27: {  	[tilespmem:s1+$0xFFFFFFF0] =	vst v0  }
0x28: {  	[tilespmem:s1+$0xFFFFFFE0] =	vst v0  }
0x29: {  	[tilespmem:s1+$0x10] =	vst v0  }
0x2a: {  	s0 =	simm.s32 $0xC660;
	[tilespmem:s1+$0x20] =	vst v0  }
0x2b: {  	[tilespmem:s0+$0xFFFFFFC0] =	vst v0  }
0x2c: {  	[tilespmem:s0+$0x30] =	vst v0  }
0x2d: {  	[tilespmem:s0+$0x0] =	vst v0  }
0x2e: {  	[tilespmem:s0+$0x20] =	vst v0  }
0x2f: {  	[tilespmem:s0+$0x10] =	vst v0  }
0x30: {  	[tilespmem:s0+$0xFFFFFFD0] =	vst v0  }
0x31: {  	[tilespmem:s0+$0xFFFFFFE0] =	vst v0  }
0x32: {  	s31 =	simm.s32 $0xEE60;
	[tilespmem:s0+$0xFFFFFFF0] =	vst v0  }
0x33: {  	[tilespmem:s31+$0xFFFFFFC0] =	vst v0  }
0x34: {  	[tilespmem:s31+$0x30] =	vst v0  }
0x35: {  	[tilespmem:s31+$0x20] =	vst v0  }
0x36: {  	[tilespmem:s31+$0x10] =	vst v0  }
0x37: {  	s30 =	simm.s32 $0x2750;
	s3 =	simm.s32 $0x0;
	s4 =	simm.s32 $0xEEE0;
	[tilespmem:s31+$0xFFFFFFD0] =	vst v0  }
.LBB2_2:
0x38: {  	s3 =	sadd.s32 $0x8, s3;
	[tilespmem:s31+$0xFFFFFFE0] =	vst v0;
	s1 =	sadd.s32 $0x80, s1;
	s0 =	sadd.s32 $0x80, s0  }
0x39: {  	p0 =	slt.u32 s3, $0x278;
	[tilespmem:s31+$0x0] =	vst v0  }
0x3a: {  	[tilespmem:s31+$0xFFFFFFF0] =	vst v0;
	s31 =	smov.u32 s4  }
0x3b: {  	[tilespmem:s1+$0xFFFFFFD0] =	vst v0  }
0x3c: {  	[tilespmem:s1+$0x0] =	vst v0  }
0x3d: {  	[tilespmem:s1+$0xFFFFFFC0] =	vst v0  }
0x3e: {  	[tilespmem:s0+$0xFFFFFFC0] =	vst v0  }
0x3f: {  	[tilespmem:s4+$0xFFFFFFC0] =	vst v0  }
0x40: {  	[tilespmem:s1+$0x30] =	vst v0  }
0x41: {  	[tilespmem:s0+$0x30] =	vst v0  }
0x42: {  	[tilespmem:s4+$0x30] =	vst v0  }
0x43: {  	[tilespmem:s0+$0x0] =	vst v0  }
0x44: {  	[tilespmem:s1+$0xFFFFFFF0] =	vst v0  }
0x45: {  	[tilespmem:s1+$0xFFFFFFE0] =	vst v0  }
0x46: {  	[tilespmem:s1+$0x10] =	vst v0  }
0x47: {  	[tilespmem:s1+$0x20] =	vst v0  }
0x48: {  	[tilespmem:s0+$0x20] =	vst v0  }
0x49: {  	[tilespmem:s4+$0x20] =	vst v0  }
0x4a: {  	[tilespmem:s0+$0x10] =	vst v0  }
.Ltmp0:
0x4b: {  	[tilespmem:s4+$0x10] =	vst v0;
	(pc) =	sbr.rel @p0 .LBB2_2-.Ltmp0, $4  }
0x4c: {  	[tilespmem:s0+$0xFFFFFFD0] =	vst v0  }
0x4d: {  	[tilespmem:s0+$0xFFFFFFE0] =	vst v0  }
0x4e: {  	[tilespmem:s4+$0xFFFFFFD0] =	vst v0  }
0x4f: {  	s4 =	sadd.s32 $0x80, s4;
	[tilespmem:s0+$0xFFFFFFF0] =	vst v0  }
0x50: {  	[tilespmem:s31+$0xFFFFFFE0] =	vst v0  }
0x51: {  	[tilespmem:s31+$0x0] =	vst v0  }
0x52: {  	[tilespmem:s31+$0xFFFFFFF0] =	vst v0  }
0x53: {  	v2 =	vld [tilespmem:s18+$0x30]  }
0x54: {  	v3 =	vld [tilespmem:s18+$0xFFFFFFD0]  }
0x55: {  	v4 =	vld [tilespmem:s18+$0xFFFFFFE0]  }
0x56: {  	v5 =	vld [tilespmem:s18+$0xFFFFFFF0]  }
0x57: {  	v6 =	vld [tilespmem:s18+$0x0]  }
0x58: {  	v7 =	vld [tilespmem:s18+$0x10]  }
0x59: {  	v8 =	vld [tilespmem:s30+$0x30]  }
0x5a: {  	v9 =	vld [tilespmem:s18+$0x20]  }
0x5b: {  	v11 =	vld [tilespmem:s18+$0xFFFFFFC0]  }
0x5c: {  	v17 =	vld [tilespmem:s30+$0xFFFFFFC0]  }
0x5d: {  	v18 =	vld [tilespmem:s30+$0xFFFFFFD0]  }
0x5e: {  	v19 =	vld [tilespmem:s30+$0xFFFFFFE0]  }
0x5f: {  	v20 =	vld [tilespmem:s30+$0xFFFFFFF0]  }
0x60: {  	v21 =	vld [tilespmem:s30+$0x0]  }
0x61: {  	v22 =	vld [tilespmem:s30+$0x10]  }
0x62: {  	v10 =	vld.idx.msk [tilespmem:v2+s19+$0x0], $0xffff  }
0x63: {  	v2 =	vld.idx.msk [tilespmem:v2+s20+$0x0], $0xffff  }
0x64: {  	v12 =	vld.idx.msk [tilespmem:v3+s19+$0x0], $0xffff  }
0x65: {  	v3 =	vld.idx.msk [tilespmem:v3+s20+$0x0], $0xffff  }
0x66: {  	v13 =	vld.idx.msk [tilespmem:v4+s19+$0x0], $0xffff  }
0x67: {  	v4 =	vld.idx.msk [tilespmem:v4+s20+$0x0], $0xffff  }
0x68: {  	v61 =	vld.idx.msk [tilespmem:v11+s19+$0x0], $0xffff  }
0x69: {  	v62 =	vld.idx.msk [tilespmem:v11+s20+$0x0], $0xffff  }
0x6a: {  	v63 =	vld.idx.msk [tilespmem:v5+s19+$0x0], $0xffff  }
0x6b: {  	v5 =	vld.idx.msk [tilespmem:v5+s20+$0x0], $0xffff  }
0x6c: {  	v14 =	vld.idx.msk [tilespmem:v6+s19+$0x0], $0xffff  }
0x6d: {  	v6 =	vld.idx.msk [tilespmem:v6+s20+$0x0], $0xffff  }
0x6e: {  	v15 =	vld.idx.msk [tilespmem:v7+s19+$0x0], $0xffff  }
0x6f: {  	v7 =	vld.idx.msk [tilespmem:v7+s20+$0x0], $0xffff  }
0x70: {  	v16 =	vld.idx.msk [tilespmem:v9+s19+$0x0], $0xffff  }
0x71: {  	v9 =	vld.idx.msk [tilespmem:v9+s20+$0x0], $0xffff  }
0x72: {  	[tilespmem:v8+s21+$0x0] =	vst.idx.add.f32.msk $0xffff, v10  }
0x73: {  	[tilespmem:v17+s21+$0x0] =	vst.idx.add.f32.msk $0xffff, v61  }
0x74: {  	[tilespmem:v18+s21+$0x0] =	vst.idx.add.f32.msk $0xffff, v12  }
0x75: {  	[tilespmem:v19+s21+$0x0] =	vst.idx.add.f32.msk $0xffff, v13  }
0x76: {  	[tilespmem:v20+s21+$0x0] =	vst.idx.add.f32.msk $0xffff, v63  }
0x77: {  	[tilespmem:v21+s21+$0x0] =	vst.idx.add.f32.msk $0xffff, v14  }
0x78: {  	[tilespmem:v22+s21+$0x0] =	vst.idx.add.f32.msk $0xffff, v15  }
0x79: {  	[tilespmem:v8+s22+$0x0] =	vst.idx.add.f32.msk $0xffff, v2  }
0x7a: {  	v2 =	vld [tilespmem:s30+$0x20]  }
0x7b: {  	[tilespmem:v17+s22+$0x0] =	vst.idx.add.f32.msk $0xffff, v62  }
0x7c: {  	[tilespmem:v18+s22+$0x0] =	vst.idx.add.f32.msk $0xffff, v3  }
0x7d: {  	[tilespmem:v19+s22+$0x0] =	vst.idx.add.f32.msk $0xffff, v4  }
0x7e: {  	[tilespmem:v20+s22+$0x0] =	vst.idx.add.f32.msk $0xffff, v5  }
0x7f: {  	[tilespmem:v21+s22+$0x0] =	vst.idx.add.f32.msk $0xffff, v6  }
0x80: {  	[tilespmem:v22+s22+$0x0] =	vst.idx.add.f32.msk $0xffff, v7  }
0x81: {  	[tilespmem:v8+s23+$0x0] =	vst.idx.add.f32.msk $0xffff, v1  }
0x82: {  	[tilespmem:v17+s23+$0x0] =	vst.idx.add.f32.msk $0xffff, v1  }
0x83: {  	[tilespmem:v18+s23+$0x0] =	vst.idx.add.f32.msk $0xffff, v1  }
0x84: {  	[tilespmem:v19+s23+$0x0] =	vst.idx.add.f32.msk $0xffff, v1  }
0x85: {  	[tilespmem:v20+s23+$0x0] =	vst.idx.add.f32.msk $0xffff, v1  }
0x86: {  	[tilespmem:v21+s23+$0x0] =	vst.idx.add.f32.msk $0xffff, v1  }
0x87: {  	[tilespmem:v22+s23+$0x0] =	vst.idx.add.f32.msk $0xffff, v1  }
0x88: {  	[tilespmem:v2+s21+$0x0] =	vst.idx.add.f32.msk $0xffff, v16  }
0x89: {  	s31 =	simm.s32 $0x0;
	s1 =	simm.s32 $0xC0;
	[tilespmem:v2+s22+$0x0] =	vst.idx.add.f32.msk $0xffff, v9  }
.LBB2_4:
0x8a: {  	v3 =	vld [tilespmem:s1+$0x30]  }
0x8b: {  	v4 =	vld [tilespmem:s1+$0xFFFFFFD0]  }
0x8c: {  	s31 =	sadd.s32 $0x8, s31;
	v5 =	vld [tilespmem:s1+$0xFFFFFFE0]  }
0x8d: {  	p0 =	slt.u32 s31, $0x268;
	v6 =	vld [tilespmem:s1+$0xFFFFFFF0]  }
0x8e: {  	v7 =	vld [tilespmem:s1+$0x0]  }
0x8f: {  	s30 =	sadd.s32 $0x80, s30;
	v8 =	vld [tilespmem:s1+$0x10]  }
0x90: {  	v9 =	vld [tilespmem:s30+$0x30]  }
0x91: {  	v10 =	vld [tilespmem:s1+$0x20]  }
0x92: {  	v11 =	vld.idx.msk [tilespmem:v3+s19+$0x0], $0xffff  }
0x93: {  	v3 =	vld.idx.msk [tilespmem:v3+s20+$0x0], $0xffff  }
0x94: {  	v12 =	vld [tilespmem:s1+$0xFFFFFFC0]  }
0x95: {  	v13 =	vld.idx.msk [tilespmem:v4+s19+$0x0], $0xffff  }
0x96: {  	v4 =	vld.idx.msk [tilespmem:v4+s20+$0x0], $0xffff  }
0x97: {  	v14 =	vld.idx.msk [tilespmem:v5+s19+$0x0], $0xffff  }
0x98: {  	[tilespmem:v9+s21+$0x0] =	vst.idx.add.f32.msk $0xffff, v11  }
0x99: {  	[tilespmem:v9+s22+$0x0] =	vst.idx.add.f32.msk $0xffff, v3  }
0x9a: {  	[tilespmem:v9+s23+$0x0] =	vst.idx.add.f32.msk $0xffff, v1  }
0x9b: {  	v3 =	vld.idx.msk [tilespmem:v5+s20+$0x0], $0xffff  }
0x9c: {  	v5 =	vld.idx.msk [tilespmem:v12+s19+$0x0], $0xffff  }
0x9d: {  	v9 =	vld.idx.msk [tilespmem:v12+s20+$0x0], $0xffff  }
0x9e: {  	v11 =	vld.idx.msk [tilespmem:v6+s19+$0x0], $0xffff  }
0x9f: {  	v6 =	vld.idx.msk [tilespmem:v6+s20+$0x0], $0xffff  }
0xa0: {  	v12 =	vld.idx.msk [tilespmem:v7+s19+$0x0], $0xffff  }
0xa1: {  	v7 =	vld.idx.msk [tilespmem:v7+s20+$0x0], $0xffff  }
0xa2: {  	v15 =	vld.idx.msk [tilespmem:v8+s19+$0x0], $0xffff  }
0xa3: {  	v8 =	vld.idx.msk [tilespmem:v8+s20+$0x0], $0xffff  }
0xa4: {  	v16 =	vld.idx.msk [tilespmem:v10+s19+$0x0], $0xffff  }
0xa5: {  	v10 =	vld.idx.msk [tilespmem:v10+s20+$0x0], $0xffff  }
0xa6: {  	v17 =	vld [tilespmem:s30+$0xFFFFFFC0]  }
0xa7: {  	v18 =	vld [tilespmem:s30+$0xFFFFFFD0]  }
0xa8: {  	v19 =	vld [tilespmem:s30+$0xFFFFFFE0]  }
0xa9: {  	v20 =	vld [tilespmem:s30+$0xFFFFFFF0]  }
0xaa: {  	v21 =	vld [tilespmem:s30+$0x0]  }
0xab: {  	v22 =	vld [tilespmem:s30+$0x10]  }
0xac: {  	v23 =	vld [tilespmem:s30+$0x20]  }
0xad: {  	[tilespmem:v2+s23+$0x0] =	vst.idx.add.f32.msk $0xffff, v1  }
0xae: {  	[tilespmem:v17+s21+$0x0] =	vst.idx.add.f32.msk $0xffff, v5  }
0xaf: {  	[tilespmem:v17+s22+$0x0] =	vst.idx.add.f32.msk $0xffff, v9  }
0xb0: {  	[tilespmem:v17+s23+$0x0] =	vst.idx.add.f32.msk $0xffff, v1  }
0xb1: {  	[tilespmem:v18+s21+$0x0] =	vst.idx.add.f32.msk $0xffff, v13;
	v2 =	vmov v23  }
0xb2: {  	[tilespmem:v18+s22+$0x0] =	vst.idx.add.f32.msk $0xffff, v4  }
0xb3: {  	[tilespmem:v18+s23+$0x0] =	vst.idx.add.f32.msk $0xffff, v1  }
0xb4: {  	[tilespmem:v19+s21+$0x0] =	vst.idx.add.f32.msk $0xffff, v14  }
0xb5: {  	[tilespmem:v19+s22+$0x0] =	vst.idx.add.f32.msk $0xffff, v3  }
0xb6: {  	[tilespmem:v19+s23+$0x0] =	vst.idx.add.f32.msk $0xffff, v1  }
0xb7: {  	[tilespmem:v20+s21+$0x0] =	vst.idx.add.f32.msk $0xffff, v11  }
0xb8: {  	[tilespmem:v20+s22+$0x0] =	vst.idx.add.f32.msk $0xffff, v6  }
0xb9: {  	[tilespmem:v20+s23+$0x0] =	vst.idx.add.f32.msk $0xffff, v1  }
0xba: {  	[tilespmem:v21+s21+$0x0] =	vst.idx.add.f32.msk $0xffff, v12  }
0xbb: {  	[tilespmem:v21+s22+$0x0] =	vst.idx.add.f32.msk $0xffff, v7  }
0xbc: {  	[tilespmem:v21+s23+$0x0] =	vst.idx.add.f32.msk $0xffff, v1  }
.Ltmp1:
0xbd: {  	[tilespmem:v22+s21+$0x0] =	vst.idx.add.f32.msk $0xffff, v15;
	(pc) =	sbr.rel @p0 .LBB2_4-.Ltmp1, $4  }
0xbe: {  	[tilespmem:v22+s22+$0x0] =	vst.idx.add.f32.msk $0xffff, v8  }
0xbf: {  	[tilespmem:v22+s23+$0x0] =	vst.idx.add.f32.msk $0xffff, v1  }
0xc0: {  	[tilespmem:v23+s21+$0x0] =	vst.idx.add.f32.msk $0xffff, v16  }
0xc1: {  	s1 =	sadd.s32 $0x80, s1;
	[tilespmem:v23+s22+$0x0] =	vst.idx.add.f32.msk $0xffff, v10  }
0xc2: {  	_ =	sdelay $0x3  }
0xc3: {  	[tilespmem:v2+s23+$0x0] =	vst.idx.add.f32.msk $0xffff, v1  }
0xc4: {  	v2 =	vld [tilespmem:$0x2700];
	_ =	sdelay $0x4  }
0xc5: {  	v3 =	vld [tilespmem:$0x4E10];
	_ =	sdelay $0x2  }
0xc6: {  	v4 =	vld.idx.msk [tilespmem:v2+s19+$0x0], $0xffff  }
0xc7: {  	v2 =	vld.idx.msk [tilespmem:v2+s20+$0x0], $0xffff;
	_ =	sdelay $0x3  }
0xc8: {  	[tilespmem:v3+s21+$0x0] =	vst.idx.add.f32.msk $0xffff, v4  }
0xc9: {  	[tilespmem:v3+s22+$0x0] =	vst.idx.add.f32.msk $0xffff, v2  }
0xca: {  	[tilespmem:v3+s23+$0x0] =	vst.idx.add.f32.msk $0xffff, v1  }
0xcb: {  	[spmem:s7] =	stream.linear.scatter [tilespmem:s21], [sflag:$0x1], $0x2800, $0x38;
	[tilespmem:$0x1B8A0] =	vst v63  }
0xcc: {  	_ =	swait.ge [sflag:s17], $0x2800  }
0xcd: {  	[sflag:s17] =	ssyncset.done $0x0  }
0xce: {  	[sflag:s17] =	ssyncadd.s32 $0xFFFFD800  }
0xcf: {  	[spmem:s8] =	stream.linear.scatter [tilespmem:s22], [sflag:$0x1], $0x2800, $0x38;
	[tilespmem:$0x1B8A0] =	vst v63  }
0xd0: {  	_ =	swait.ge [sflag:s17], $0x2800  }
0xd1: {  	[sflag:s17] =	ssyncset.done $0x0  }
0xd2: {  	[sflag:s17] =	ssyncadd.s32 $0xFFFFD800  }
0xd3: {  	[spmem:s11] =	stream.linear.scatter [tilespmem:s23], [sflag:$0x1], $0x2800, $0x38;
	[tilespmem:$0x1B8A0] =	vst v63  }
0xd4: {  	_ =	swait.ge [sflag:s17], $0x2800  }
0xd5: {  	[sflag:s17] =	ssyncset.done $0x0  }
0xd6: {  	[sflag:s17] =	ssyncadd.s32 $0xFFFFD800  }
0xd7: {  	[bflag:$0x0] =	sbarrier.arrive $0xFFFF  }
0xd8: {  	[tilespmem:s26], [sflag:$0x1] =	stream.strided.gather [spmem:s9], $0x2800, s25, s24, $0x38;
	[tilespmem:$0x1B8A0] =	vst v63  }
0xd9: {  	_ =	swait.ge [sflag:s17], $0x2800  }
0xda: {  	[sflag:s17] =	ssyncset.done $0x0  }
0xdb: {  	s0 =	simm.s32 $0x12A20;
	[sflag:s17] =	ssyncadd.s32 $0xFFFFD800  }
0xdc: {  	v2 =	vld [tilespmem:s0+$0xFFFFEC10]  }
0xdd: {  	v3 =	vld [tilespmem:s0+$0xFFFFEE90]  }
0xde: {  	v4 =	vld [tilespmem:s0+$0xFFFFEE80]  }
0xdf: {  	v5 =	vld [tilespmem:s0+$0xFFFFF110]  }
0xe0: {  	v6 =	vld [tilespmem:s0+$0xFFFFEC00]  }
0xe1: {  	v7 =	vld [tilespmem:s0+$0xFFFFF390]  }
0xe2: {  	v8 =	vld [tilespmem:s0+$0xFFFFF100]  }
0xe3: {  	v9 =	vld [tilespmem:s0+$0xFFFFF610]  }
0xe4: {  	v10 =	vld [tilespmem:s0+$0xFFFFF380]  }
0xe5: {  	v11 =	vld [tilespmem:s0+$0xFFFFF890]  }
0xe6: {  	v12 =	vld [tilespmem:s0+$0xFFFFF600]  }
0xe7: {  	v13 =	vld [tilespmem:s0+$0xFFFFFB10]  }
0xe8: {  	v14 =	vld [tilespmem:s0+$0xFFFFF880]  }
0xe9: {  	v15 =	vld [tilespmem:s0+$0xFFFFFD90]  }
0xea: {  	v16 =	vld [tilespmem:s0+$0xFFFFFB00]  }
0xeb: {  	v17 =	vld [tilespmem:s0+$0x10]  }
0xec: {  	v18 =	vld [tilespmem:s0+$0xFFFFFD80]  }
0xed: {  	v19 =	vld [tilespmem:s0+$0x290]  }
0xee: {  	v20 =	vld [tilespmem:s0+$0x0]  }
0xef: {  	v21 =	vld [tilespmem:s0+$0x510]  }
0xf0: {  	v22 =	vld [tilespmem:s0+$0x280]  }
0xf1: {  	v23 =	vld [tilespmem:s0+$0x790]  }
0xf2: {  	v24 =	vld [tilespmem:s0+$0x500]  }
0xf3: {  	v25 =	vld [tilespmem:s0+$0xA10]  }
0xf4: {  	v26 =	vld [tilespmem:s0+$0x780]  }
0xf5: {  	v27 =	vld [tilespmem:s0+$0xC90]  }
0xf6: {  	v28 =	vld [tilespmem:s0+$0xA00]  }
0xf7: {  	v29 =	vld [tilespmem:s0+$0xF10]  }
0xf8: {  	v30 =	vld [tilespmem:s0+$0xC80]  }
0xf9: {  	v31 =	vld [tilespmem:s0+$0x1190]  }
0xfa: {  	v32 =	vld [tilespmem:s0+$0xF00]  }
0xfb: {  	s31 =	simm.s32 $0x12A40;
	v33 =	vld [tilespmem:s0+$0x1180];
	v2 =	vadd.f32 v3, v2  }
0xfc: {  	v3 =	vadd.f32 v4, v6;
	v4 =	vld [tilespmem:s31+$0xFFFFEC10]  }
0xfd: {  	v6 =	vld [tilespmem:s31+$0xFFFFEE90];
	v2 =	vadd.f32 v5, v2  }
0xfe: {  	v3 =	vadd.f32 v8, v3;
	v5 =	vld [tilespmem:s31+$0xFFFFEE80]  }
0xff: {  	v8 =	vld [tilespmem:s31+$0xFFFFF110];
	v2 =	vadd.f32 v7, v2  }
0x100: {  	v3 =	vadd.f32 v10, v3;
	v7 =	vld [tilespmem:s31+$0xFFFFEC00]  }
0x101: {  	v10 =	vld [tilespmem:s31+$0xFFFFF390];
	v2 =	vadd.f32 v9, v2  }
0x102: {  	v4 =	vadd.f32 v6, v4;
	v3 =	vadd.f32 v12, v3;
	v9 =	vld [tilespmem:s31+$0xFFFFF100]  }
0x103: {  	v6 =	vld [tilespmem:s31+$0xFFFFF610];
	v2 =	vadd.f32 v11, v2  }
0x104: {  	v4 =	vadd.f32 v8, v4;
	v3 =	vadd.f32 v14, v3;
	v11 =	vld [tilespmem:s31+$0xFFFFF380]  }
0x105: {  	v5 =	vadd.f32 v5, v7;
	v7 =	vld [tilespmem:s31+$0xFFFFF890];
	v2 =	vadd.f32 v13, v2  }
0x106: {  	v8 =	vld [tilespmem:s31+$0xFFFFF600];
	v4 =	vadd.f32 v10, v4;
	v3 =	vadd.f32 v16, v3  }
0x107: {  	v5 =	vadd.f32 v9, v5;
	v9 =	vld [tilespmem:s31+$0xFFFFFB10];
	v2 =	vadd.f32 v15, v2  }
0x108: {  	v10 =	vld [tilespmem:s31+$0xFFFFF880];
	v4 =	vadd.f32 v6, v4;
	v3 =	vadd.f32 v18, v3  }
0x109: {  	v6 =	vld [tilespmem:s31+$0xFFFFFD90];
	v5 =	vadd.f32 v11, v5;
	v2 =	vadd.f32 v17, v2  }
0x10a: {  	v11 =	vld [tilespmem:s31+$0xFFFFFB00];
	v3 =	vadd.f32 v20, v3;
	v4 =	vadd.f32 v7, v4  }
0x10b: {  	v7 =	vld [tilespmem:s31+$0x10];
	v5 =	vadd.f32 v8, v5;
	v2 =	vadd.f32 v19, v2  }
0x10c: {  	v8 =	vld [tilespmem:s31+$0xFFFFFD80];
	v3 =	vadd.f32 v22, v3;
	v4 =	vadd.f32 v9, v4  }
0x10d: {  	v9 =	vld [tilespmem:s31+$0x290];
	v5 =	vadd.f32 v10, v5;
	v2 =	vadd.f32 v21, v2  }
0x10e: {  	v10 =	vld [tilespmem:s31+$0x0];
	v3 =	vadd.f32 v24, v3;
	v4 =	vadd.f32 v6, v4  }
0x10f: {  	v6 =	vld [tilespmem:s31+$0x510];
	v5 =	vadd.f32 v11, v5;
	v2 =	vadd.f32 v23, v2  }
0x110: {  	v11 =	vld [tilespmem:s31+$0x280];
	v3 =	vadd.f32 v26, v3;
	v4 =	vadd.f32 v7, v4  }
0x111: {  	v7 =	vld [tilespmem:s31+$0x790];
	v5 =	vadd.f32 v8, v5;
	v2 =	vadd.f32 v25, v2  }
0x112: {  	v8 =	vld [tilespmem:s31+$0x500];
	v3 =	vadd.f32 v28, v3;
	v4 =	vadd.f32 v9, v4  }
0x113: {  	v9 =	vld [tilespmem:s31+$0xA10];
	v5 =	vadd.f32 v10, v5;
	v2 =	vadd.f32 v27, v2  }
0x114: {  	v10 =	vld [tilespmem:s31+$0x780];
	v3 =	vadd.f32 v30, v3;
	v4 =	vadd.f32 v6, v4  }
0x115: {  	v5 =	vadd.f32 v11, v5;
	v11 =	vld [tilespmem:s31+$0xC90];
	v6 =	vadd.f32 v29, v2  }
0x116: {  	v63 =	vld [tilespmem:s31+$0xA00];
	v3 =	vadd.f32 v32, v3;
	v4 =	vadd.f32 v7, v4  }
0x117: {  	v2 =	vld [tilespmem:s31+$0xF10];
	v5 =	vadd.f32 v8, v5;
	v6 =	vadd.f32 v31, v6  }
0x118: {  	s1 =	simm.s32 $0x13E30;
	v7 =	vadd.f32 v33, v3;
	v3 =	vld [tilespmem:s31+$0xC80];
	v8 =	vadd.f32 v9, v4  }
0x119: {  	v4 =	vld [tilespmem:s31+$0x1190];
	v5 =	vadd.f32 v10, v5;
	[tilespmem:s1+$0x0] =	vst v6  }
0x11a: {  	v6 =	vld [tilespmem:s31+$0xF00];
	[tilespmem:s1+$0xFFFFFFF0] =	vst v7;
	v7 =	vadd.f32 v11, v8  }
0x11b: {  	s30 =	simm.s32 $0x2;
	v8 =	vadd.f32 v63, v5;
	v5 =	vld [tilespmem:s31+$0x1180];
	s31 =	simm.s32 $0x12A60  }
.LBB2_6:
0x11c: {  	v9 =	vld [tilespmem:s31+$0xFFFFEC10];
	v2 =	vadd.f32 v2, v7  }
0x11d: {  	s30 =	sadd.s32 $0x2, s30;
	v7 =	vld [tilespmem:s31+$0xFFFFEE90];
	v3 =	vadd.f32 v3, v8  }
0x11e: {  	p0 =	slt.u32 s30, $0x26;
	v8 =	vld [tilespmem:s31+$0xFFFFEE80];
	v2 =	vadd.f32 v4, v2  }
0x11f: {  	s1 =	sadd.s32 $0x20, s1;
	v4 =	vld [tilespmem:s31+$0xFFFFF110];
	v3 =	vadd.f32 v6, v3  }
0x120: {  	v6 =	vld [tilespmem:s31+$0xFFFFEC00];
	[tilespmem:s1+$0x0] =	vst v2  }
0x121: {  	v2 =	vld [tilespmem:s31+$0xFFFFF390];
	v3 =	vadd.f32 v5, v3  }
0x122: {  	v5 =	vld [tilespmem:s31+$0xFFFFF100];
	v7 =	vadd.f32 v7, v9  }
0x123: {  	v9 =	vld [tilespmem:s31+$0xFFFFF610];
	[tilespmem:s1+$0xFFFFFFF0] =	vst v3  }
0x124: {  	v3 =	vld [tilespmem:s31+$0xFFFFF380];
	v4 =	vadd.f32 v4, v7  }
0x125: {  	v6 =	vadd.f32 v8, v6;
	v7 =	vld [tilespmem:s31+$0xFFFFF890]  }
0x126: {  	v8 =	vld [tilespmem:s31+$0xFFFFF600];
	v2 =	vadd.f32 v2, v4  }
0x127: {  	v4 =	vadd.f32 v5, v6;
	v5 =	vld [tilespmem:s31+$0xFFFFFB10]  }
0x128: {  	v6 =	vld [tilespmem:s31+$0xFFFFF880];
	v2 =	vadd.f32 v9, v2  }
0x129: {  	v3 =	vadd.f32 v3, v4;
	v4 =	vld [tilespmem:s31+$0xFFFFFD90]  }
0x12a: {  	v9 =	vld [tilespmem:s31+$0xFFFFFB00];
	v2 =	vadd.f32 v7, v2  }
0x12b: {  	v3 =	vadd.f32 v8, v3;
	v7 =	vld [tilespmem:s31+$0x10]  }
0x12c: {  	v8 =	vld [tilespmem:s31+$0xFFFFFD80];
	v2 =	vadd.f32 v5, v2  }
0x12d: {  	v3 =	vadd.f32 v6, v3;
	v5 =	vld [tilespmem:s31+$0x290]  }
0x12e: {  	v6 =	vld [tilespmem:s31+$0x0];
	v2 =	vadd.f32 v4, v2  }
0x12f: {  	v3 =	vadd.f32 v9, v3;
	v4 =	vld [tilespmem:s31+$0x510]  }
0x130: {  	v9 =	vld [tilespmem:s31+$0x280];
	v2 =	vadd.f32 v7, v2  }
0x131: {  	v3 =	vadd.f32 v8, v3;
	v7 =	vld [tilespmem:s31+$0x790]  }
0x132: {  	v8 =	vld [tilespmem:s31+$0x500];
	v2 =	vadd.f32 v5, v2  }
0x133: {  	v3 =	vadd.f32 v6, v3;
	v5 =	vld [tilespmem:s31+$0xA10]  }
0x134: {  	v6 =	vld [tilespmem:s31+$0x780];
	v2 =	vadd.f32 v4, v2  }
0x135: {  	v3 =	vadd.f32 v9, v3;
	v9 =	vld [tilespmem:s31+$0xC90]  }
0x136: {  	v10 =	vld [tilespmem:s31+$0xA00];
	v4 =	vadd.f32 v7, v2  }
.Ltmp2:
0x137: {  	v7 =	vadd.f32 v8, v3;
	v2 =	vld [tilespmem:s31+$0xF10];
	(pc) =	sbr.rel @p0 .LBB2_6-.Ltmp2, $4  }
0x138: {  	v3 =	vld [tilespmem:s31+$0xC80];
	v5 =	vadd.f32 v5, v4  }
0x139: {  	v8 =	vadd.f32 v6, v7;
	v4 =	vld [tilespmem:s31+$0x1190]  }
0x13a: {  	v6 =	vld [tilespmem:s31+$0xF00];
	v7 =	vadd.f32 v9, v5  }
0x13b: {  	v8 =	vadd.f32 v10, v8;
	v5 =	vld [tilespmem:s31+$0x1180];
	s31 =	sadd.s32 $0x20, s31  }
0x13c: {  	_ = 	snop  }
0x13d: {  	v3 =	vadd.f32 v3, v8  }
0x13e: {  	v2 =	vadd.f32 v2, v7  }
0x13f: {  	v3 =	vadd.f32 v6, v3  }
0x140: {  	v2 =	vadd.f32 v4, v2  }
0x141: {  	s0 =	sadd.s32 $0x20, s1;
	v3 =	vadd.f32 v5, v3  }
0x142: {  	[tilespmem:s0+$0x0] =	vst v2  }
0x143: {  	[tilespmem:s0+$0xFFFFFFF0] =	vst v3  }
0x144: {  	[hbm4b:s10+s2] =	stream.linear.scatter [tilespmem:s28], [sflag:$0x1], $0x280, $0x38;
	[tilespmem:$0x1B8A0] =	vst v63  }
0x145: {  	_ =	swait.ge [sflag:s17], $0x280  }
0x146: {  	[sflag:s17] =	ssyncset.done $0x0  }
0x147: {  	[sflag:s17] =	ssyncadd.s32 $0xFFFFFD80  }
0x148: {  	[tilespmem:s26], [sflag:$0x1] =	stream.strided.gather [spmem:s12], $0x2800, s25, s24, $0x38;
	[tilespmem:$0x1B8A0] =	vst v63  }
0x149: {  	_ =	swait.ge [sflag:s17], $0x2800  }
0x14a: {  	[sflag:s17] =	ssyncset.done $0x0  }
0x14b: {  	s4 =	simm.s32 $0x12A20;
	[sflag:s17] =	ssyncadd.s32 $0xFFFFD800  }
0x14c: {  	v2 =	vld [tilespmem:s4+$0xFFFFEC10]  }
0x14d: {  	v3 =	vld [tilespmem:s4+$0xFFFFEE90]  }
0x14e: {  	v4 =	vld [tilespmem:s4+$0xFFFFEE80]  }
0x14f: {  	v5 =	vld [tilespmem:s4+$0xFFFFF110]  }
0x150: {  	v6 =	vld [tilespmem:s4+$0xFFFFEC00]  }
0x151: {  	v7 =	vld [tilespmem:s4+$0xFFFFF390]  }
0x152: {  	v8 =	vld [tilespmem:s4+$0xFFFFF100]  }
0x153: {  	v9 =	vld [tilespmem:s4+$0xFFFFF610]  }
0x154: {  	v10 =	vld [tilespmem:s4+$0xFFFFF380]  }
0x155: {  	v11 =	vld [tilespmem:s4+$0xFFFFF890]  }
0x156: {  	v12 =	vld [tilespmem:s4+$0xFFFFF600]  }
0x157: {  	v13 =	vld [tilespmem:s4+$0xFFFFFB10]  }
0x158: {  	v14 =	vld [tilespmem:s4+$0xFFFFF880]  }
0x159: {  	v15 =	vld [tilespmem:s4+$0xFFFFFD90]  }
0x15a: {  	v16 =	vld [tilespmem:s4+$0xFFFFFB00]  }
0x15b: {  	v17 =	vld [tilespmem:s4+$0x10]  }
0x15c: {  	v18 =	vld [tilespmem:s4+$0xFFFFFD80]  }
0x15d: {  	v19 =	vld [tilespmem:s4+$0x290]  }
0x15e: {  	v20 =	vld [tilespmem:s4+$0x0]  }
0x15f: {  	v21 =	vld [tilespmem:s4+$0x510]  }
0x160: {  	v22 =	vld [tilespmem:s4+$0x280]  }
0x161: {  	v23 =	vld [tilespmem:s4+$0x790]  }
0x162: {  	v24 =	vld [tilespmem:s4+$0x500]  }
0x163: {  	v25 =	vld [tilespmem:s4+$0xA10]  }
0x164: {  	v26 =	vld [tilespmem:s4+$0x780]  }
0x165: {  	v27 =	vld [tilespmem:s4+$0xC90]  }
0x166: {  	v28 =	vld [tilespmem:s4+$0xA00]  }
0x167: {  	v29 =	vld [tilespmem:s4+$0xF10]  }
0x168: {  	v30 =	vld [tilespmem:s4+$0xC80]  }
0x169: {  	v31 =	vld [tilespmem:s4+$0x1190]  }
0x16a: {  	v32 =	vld [tilespmem:s4+$0xF00]  }
0x16b: {  	s31 =	simm.s32 $0x12A40;
	v33 =	vld [tilespmem:s4+$0x1180];
	v2 =	vadd.f32 v3, v2  }
0x16c: {  	v3 =	vadd.f32 v4, v6;
	v4 =	vld [tilespmem:s31+$0xFFFFEC10]  }
0x16d: {  	v6 =	vld [tilespmem:s31+$0xFFFFEE90];
	v2 =	vadd.f32 v5, v2  }
0x16e: {  	v3 =	vadd.f32 v8, v3;
	v5 =	vld [tilespmem:s31+$0xFFFFEE80]  }
0x16f: {  	v8 =	vld [tilespmem:s31+$0xFFFFF110];
	v2 =	vadd.f32 v7, v2  }
0x170: {  	v3 =	vadd.f32 v10, v3;
	v7 =	vld [tilespmem:s31+$0xFFFFEC00]  }
0x171: {  	v10 =	vld [tilespmem:s31+$0xFFFFF390];
	v2 =	vadd.f32 v9, v2  }
0x172: {  	v4 =	vadd.f32 v6, v4;
	v3 =	vadd.f32 v12, v3;
	v9 =	vld [tilespmem:s31+$0xFFFFF100]  }
0x173: {  	v6 =	vld [tilespmem:s31+$0xFFFFF610];
	v2 =	vadd.f32 v11, v2  }
0x174: {  	v4 =	vadd.f32 v8, v4;
	v3 =	vadd.f32 v14, v3;
	v11 =	vld [tilespmem:s31+$0xFFFFF380]  }
0x175: {  	v5 =	vadd.f32 v5, v7;
	v7 =	vld [tilespmem:s31+$0xFFFFF890];
	v2 =	vadd.f32 v13, v2  }
0x176: {  	v8 =	vld [tilespmem:s31+$0xFFFFF600];
	v4 =	vadd.f32 v10, v4;
	v3 =	vadd.f32 v16, v3  }
0x177: {  	v5 =	vadd.f32 v9, v5;
	v9 =	vld [tilespmem:s31+$0xFFFFFB10];
	v2 =	vadd.f32 v15, v2  }
0x178: {  	v10 =	vld [tilespmem:s31+$0xFFFFF880];
	v4 =	vadd.f32 v6, v4;
	v3 =	vadd.f32 v18, v3  }
0x179: {  	v6 =	vld [tilespmem:s31+$0xFFFFFD90];
	v5 =	vadd.f32 v11, v5;
	v2 =	vadd.f32 v17, v2  }
0x17a: {  	v11 =	vld [tilespmem:s31+$0xFFFFFB00];
	v3 =	vadd.f32 v20, v3;
	v4 =	vadd.f32 v7, v4  }
0x17b: {  	v7 =	vld [tilespmem:s31+$0x10];
	v5 =	vadd.f32 v8, v5;
	v2 =	vadd.f32 v19, v2  }
0x17c: {  	v8 =	vld [tilespmem:s31+$0xFFFFFD80];
	v3 =	vadd.f32 v22, v3;
	v4 =	vadd.f32 v9, v4  }
0x17d: {  	v9 =	vld [tilespmem:s31+$0x290];
	v5 =	vadd.f32 v10, v5;
	v2 =	vadd.f32 v21, v2  }
0x17e: {  	v10 =	vld [tilespmem:s31+$0x0];
	v3 =	vadd.f32 v24, v3;
	v4 =	vadd.f32 v6, v4  }
0x17f: {  	v6 =	vld [tilespmem:s31+$0x510];
	v5 =	vadd.f32 v11, v5;
	v2 =	vadd.f32 v23, v2  }
0x180: {  	v11 =	vld [tilespmem:s31+$0x280];
	v3 =	vadd.f32 v26, v3;
	v4 =	vadd.f32 v7, v4  }
0x181: {  	v7 =	vld [tilespmem:s31+$0x790];
	v5 =	vadd.f32 v8, v5;
	v2 =	vadd.f32 v25, v2  }
0x182: {  	v8 =	vld [tilespmem:s31+$0x500];
	v3 =	vadd.f32 v28, v3;
	v4 =	vadd.f32 v9, v4  }
0x183: {  	v9 =	vld [tilespmem:s31+$0xA10];
	v5 =	vadd.f32 v10, v5;
	v2 =	vadd.f32 v27, v2  }
0x184: {  	v10 =	vld [tilespmem:s31+$0x780];
	v3 =	vadd.f32 v30, v3;
	v4 =	vadd.f32 v6, v4  }
0x185: {  	v5 =	vadd.f32 v11, v5;
	v11 =	vld [tilespmem:s31+$0xC90];
	v6 =	vadd.f32 v29, v2  }
0x186: {  	v63 =	vld [tilespmem:s31+$0xA00];
	v3 =	vadd.f32 v32, v3;
	v4 =	vadd.f32 v7, v4  }
0x187: {  	v2 =	vld [tilespmem:s31+$0xF10];
	v5 =	vadd.f32 v8, v5;
	v6 =	vadd.f32 v31, v6  }
0x188: {  	s1 =	simm.s32 $0x13E30;
	v7 =	vadd.f32 v33, v3;
	v3 =	vld [tilespmem:s31+$0xC80];
	v8 =	vadd.f32 v9, v4  }
0x189: {  	v4 =	vld [tilespmem:s31+$0x1190];
	v5 =	vadd.f32 v10, v5;
	[tilespmem:s1+$0x0] =	vst v6  }
0x18a: {  	v6 =	vld [tilespmem:s31+$0xF00];
	[tilespmem:s1+$0xFFFFFFF0] =	vst v7;
	v7 =	vadd.f32 v11, v8  }
0x18b: {  	s30 =	simm.s32 $0x2;
	v8 =	vadd.f32 v63, v5;
	v5 =	vld [tilespmem:s31+$0x1180];
	s31 =	simm.s32 $0x12A60  }
.LBB2_8:
0x18c: {  	v9 =	vld [tilespmem:s31+$0xFFFFEC10];
	v2 =	vadd.f32 v2, v7  }
0x18d: {  	s30 =	sadd.s32 $0x2, s30;
	v7 =	vld [tilespmem:s31+$0xFFFFEE90];
	v3 =	vadd.f32 v3, v8  }
0x18e: {  	p0 =	slt.u32 s30, $0x26;
	v8 =	vld [tilespmem:s31+$0xFFFFEE80];
	v2 =	vadd.f32 v4, v2  }
0x18f: {  	s1 =	sadd.s32 $0x20, s1;
	v4 =	vld [tilespmem:s31+$0xFFFFF110];
	v3 =	vadd.f32 v6, v3  }
0x190: {  	v6 =	vld [tilespmem:s31+$0xFFFFEC00];
	[tilespmem:s1+$0x0] =	vst v2  }
0x191: {  	v2 =	vld [tilespmem:s31+$0xFFFFF390];
	v3 =	vadd.f32 v5, v3  }
0x192: {  	v5 =	vld [tilespmem:s31+$0xFFFFF100];
	v7 =	vadd.f32 v7, v9  }
0x193: {  	v9 =	vld [tilespmem:s31+$0xFFFFF610];
	[tilespmem:s1+$0xFFFFFFF0] =	vst v3  }
0x194: {  	v3 =	vld [tilespmem:s31+$0xFFFFF380];
	v4 =	vadd.f32 v4, v7  }
0x195: {  	v6 =	vadd.f32 v8, v6;
	v7 =	vld [tilespmem:s31+$0xFFFFF890]  }
0x196: {  	v8 =	vld [tilespmem:s31+$0xFFFFF600];
	v2 =	vadd.f32 v2, v4  }
0x197: {  	v4 =	vadd.f32 v5, v6;
	v5 =	vld [tilespmem:s31+$0xFFFFFB10]  }
0x198: {  	v6 =	vld [tilespmem:s31+$0xFFFFF880];
	v2 =	vadd.f32 v9, v2  }
0x199: {  	v3 =	vadd.f32 v3, v4;
	v4 =	vld [tilespmem:s31+$0xFFFFFD90]  }
0x19a: {  	v9 =	vld [tilespmem:s31+$0xFFFFFB00];
	v2 =	vadd.f32 v7, v2  }
0x19b: {  	v3 =	vadd.f32 v8, v3;
	v7 =	vld [tilespmem:s31+$0x10]  }
0x19c: {  	v8 =	vld [tilespmem:s31+$0xFFFFFD80];
	v2 =	vadd.f32 v5, v2  }
0x19d: {  	v3 =	vadd.f32 v6, v3;
	v5 =	vld [tilespmem:s31+$0x290]  }
0x19e: {  	v6 =	vld [tilespmem:s31+$0x0];
	v2 =	vadd.f32 v4, v2  }
0x19f: {  	v3 =	vadd.f32 v9, v3;
	v4 =	vld [tilespmem:s31+$0x510]  }
0x1a0: {  	v9 =	vld [tilespmem:s31+$0x280];
	v2 =	vadd.f32 v7, v2  }
0x1a1: {  	v3 =	vadd.f32 v8, v3;
	v7 =	vld [tilespmem:s31+$0x790]  }
0x1a2: {  	v8 =	vld [tilespmem:s31+$0x500];
	v2 =	vadd.f32 v5, v2  }
0x1a3: {  	v3 =	vadd.f32 v6, v3;
	v5 =	vld [tilespmem:s31+$0xA10]  }
0x1a4: {  	v6 =	vld [tilespmem:s31+$0x780];
	v2 =	vadd.f32 v4, v2  }
0x1a5: {  	v3 =	vadd.f32 v9, v3;
	v9 =	vld [tilespmem:s31+$0xC90]  }
0x1a6: {  	v10 =	vld [tilespmem:s31+$0xA00];
	v4 =	vadd.f32 v7, v2  }
.Ltmp3:
0x1a7: {  	v7 =	vadd.f32 v8, v3;
	v2 =	vld [tilespmem:s31+$0xF10];
	(pc) =	sbr.rel @p0 .LBB2_8-.Ltmp3, $4  }
0x1a8: {  	v3 =	vld [tilespmem:s31+$0xC80];
	v5 =	vadd.f32 v5, v4  }
0x1a9: {  	v8 =	vadd.f32 v6, v7;
	v4 =	vld [tilespmem:s31+$0x1190]  }
0x1aa: {  	v6 =	vld [tilespmem:s31+$0xF00];
	v7 =	vadd.f32 v9, v5  }
0x1ab: {  	v8 =	vadd.f32 v10, v8;
	v5 =	vld [tilespmem:s31+$0x1180];
	s31 =	sadd.s32 $0x20, s31  }
0x1ac: {  	_ = 	snop  }
0x1ad: {  	v3 =	vadd.f32 v3, v8  }
0x1ae: {  	v2 =	vadd.f32 v2, v7  }
0x1af: {  	v3 =	vadd.f32 v6, v3  }
0x1b0: {  	v2 =	vadd.f32 v4, v2  }
0x1b1: {  	s0 =	sadd.s32 $0x20, s1;
	v3 =	vadd.f32 v5, v3  }
0x1b2: {  	[tilespmem:s0+$0x0] =	vst v2  }
0x1b3: {  	[tilespmem:s0+$0xFFFFFFF0] =	vst v3  }
0x1b4: {  	[hbm4b:s13+s2] =	stream.linear.scatter [tilespmem:s28], [sflag:$0x1], $0x280, $0x38;
	[tilespmem:$0x1B8A0] =	vst v63  }
0x1b5: {  	_ =	swait.ge [sflag:s17], $0x280  }
0x1b6: {  	[sflag:s17] =	ssyncset.done $0x0  }
0x1b7: {  	[sflag:s17] =	ssyncadd.s32 $0xFFFFFD80  }
0x1b8: {  	[tilespmem:s26], [sflag:$0x1] =	stream.strided.gather [spmem:s14], $0x2800, s25, s24, $0x38;
	[tilespmem:$0x1B8A0] =	vst v63  }
0x1b9: {  	_ =	swait.ge [sflag:s17], $0x2800  }
0x1ba: {  	[sflag:s17] =	ssyncset.done $0x0  }
0x1bb: {  	s4 =	simm.s32 $0x12A20;
	[sflag:s17] =	ssyncadd.s32 $0xFFFFD800  }
0x1bc: {  	v2 =	vld [tilespmem:s4+$0xFFFFEC10]  }
0x1bd: {  	v3 =	vld [tilespmem:s4+$0xFFFFEE90]  }
0x1be: {  	v4 =	vld [tilespmem:s4+$0xFFFFEE80]  }
0x1bf: {  	v5 =	vld [tilespmem:s4+$0xFFFFF110]  }
0x1c0: {  	v6 =	vld [tilespmem:s4+$0xFFFFEC00]  }
0x1c1: {  	v7 =	vld [tilespmem:s4+$0xFFFFF390]  }
0x1c2: {  	v8 =	vld [tilespmem:s4+$0xFFFFF100]  }
0x1c3: {  	v9 =	vld [tilespmem:s4+$0xFFFFF610]  }
0x1c4: {  	v10 =	vld [tilespmem:s4+$0xFFFFF380]  }
0x1c5: {  	v11 =	vld [tilespmem:s4+$0xFFFFF890]  }
0x1c6: {  	v12 =	vld [tilespmem:s4+$0xFFFFF600]  }
0x1c7: {  	v13 =	vld [tilespmem:s4+$0xFFFFFB10]  }
0x1c8: {  	v14 =	vld [tilespmem:s4+$0xFFFFF880]  }
0x1c9: {  	v15 =	vld [tilespmem:s4+$0xFFFFFD90]  }
0x1ca: {  	v16 =	vld [tilespmem:s4+$0xFFFFFB00]  }
0x1cb: {  	v17 =	vld [tilespmem:s4+$0x10]  }
0x1cc: {  	v18 =	vld [tilespmem:s4+$0xFFFFFD80]  }
0x1cd: {  	v19 =	vld [tilespmem:s4+$0x290]  }
0x1ce: {  	v20 =	vld [tilespmem:s4+$0x0]  }
0x1cf: {  	v21 =	vld [tilespmem:s4+$0x510]  }
0x1d0: {  	v22 =	vld [tilespmem:s4+$0x280]  }
0x1d1: {  	v23 =	vld [tilespmem:s4+$0x790]  }
0x1d2: {  	v24 =	vld [tilespmem:s4+$0x500]  }
0x1d3: {  	v25 =	vld [tilespmem:s4+$0xA10]  }
0x1d4: {  	v26 =	vld [tilespmem:s4+$0x780]  }
0x1d5: {  	v27 =	vld [tilespmem:s4+$0xC90]  }
0x1d6: {  	v28 =	vld [tilespmem:s4+$0xA00]  }
0x1d7: {  	v29 =	vld [tilespmem:s4+$0xF10]  }
0x1d8: {  	v30 =	vld [tilespmem:s4+$0xC80]  }
0x1d9: {  	v31 =	vld [tilespmem:s4+$0x1190]  }
0x1da: {  	v32 =	vld [tilespmem:s4+$0xF00]  }
0x1db: {  	s31 =	simm.s32 $0x12A40;
	v33 =	vld [tilespmem:s4+$0x1180];
	v2 =	vadd.f32 v3, v2  }
0x1dc: {  	v3 =	vadd.f32 v4, v6;
	v4 =	vld [tilespmem:s31+$0xFFFFEC10]  }
0x1dd: {  	v6 =	vld [tilespmem:s31+$0xFFFFEE90];
	v2 =	vadd.f32 v5, v2  }
0x1de: {  	v3 =	vadd.f32 v8, v3;
	v5 =	vld [tilespmem:s31+$0xFFFFEE80]  }
0x1df: {  	v8 =	vld [tilespmem:s31+$0xFFFFF110];
	v2 =	vadd.f32 v7, v2  }
0x1e0: {  	v3 =	vadd.f32 v10, v3;
	v7 =	vld [tilespmem:s31+$0xFFFFEC00]  }
0x1e1: {  	v10 =	vld [tilespmem:s31+$0xFFFFF390];
	v2 =	vadd.f32 v9, v2  }
0x1e2: {  	v4 =	vadd.f32 v6, v4;
	v3 =	vadd.f32 v12, v3;
	v9 =	vld [tilespmem:s31+$0xFFFFF100]  }
0x1e3: {  	v6 =	vld [tilespmem:s31+$0xFFFFF610];
	v2 =	vadd.f32 v11, v2  }
0x1e4: {  	v4 =	vadd.f32 v8, v4;
	v3 =	vadd.f32 v14, v3;
	v11 =	vld [tilespmem:s31+$0xFFFFF380]  }
0x1e5: {  	v5 =	vadd.f32 v5, v7;
	v7 =	vld [tilespmem:s31+$0xFFFFF890];
	v2 =	vadd.f32 v13, v2  }
0x1e6: {  	v8 =	vld [tilespmem:s31+$0xFFFFF600];
	v4 =	vadd.f32 v10, v4;
	v3 =	vadd.f32 v16, v3  }
0x1e7: {  	v5 =	vadd.f32 v9, v5;
	v9 =	vld [tilespmem:s31+$0xFFFFFB10];
	v2 =	vadd.f32 v15, v2  }
0x1e8: {  	v10 =	vld [tilespmem:s31+$0xFFFFF880];
	v4 =	vadd.f32 v6, v4;
	v3 =	vadd.f32 v18, v3  }
0x1e9: {  	v6 =	vld [tilespmem:s31+$0xFFFFFD90];
	v5 =	vadd.f32 v11, v5;
	v2 =	vadd.f32 v17, v2  }
0x1ea: {  	v11 =	vld [tilespmem:s31+$0xFFFFFB00];
	v3 =	vadd.f32 v20, v3;
	v4 =	vadd.f32 v7, v4  }
0x1eb: {  	v7 =	vld [tilespmem:s31+$0x10];
	v5 =	vadd.f32 v8, v5;
	v2 =	vadd.f32 v19, v2  }
0x1ec: {  	v8 =	vld [tilespmem:s31+$0xFFFFFD80];
	v3 =	vadd.f32 v22, v3;
	v4 =	vadd.f32 v9, v4  }
0x1ed: {  	v9 =	vld [tilespmem:s31+$0x290];
	v5 =	vadd.f32 v10, v5;
	v2 =	vadd.f32 v21, v2  }
0x1ee: {  	v10 =	vld [tilespmem:s31+$0x0];
	v3 =	vadd.f32 v24, v3;
	v4 =	vadd.f32 v6, v4  }
0x1ef: {  	v6 =	vld [tilespmem:s31+$0x510];
	v5 =	vadd.f32 v11, v5;
	v2 =	vadd.f32 v23, v2  }
0x1f0: {  	v11 =	vld [tilespmem:s31+$0x280];
	v3 =	vadd.f32 v26, v3;
	v4 =	vadd.f32 v7, v4  }
0x1f1: {  	v7 =	vld [tilespmem:s31+$0x790];
	v5 =	vadd.f32 v8, v5;
	v2 =	vadd.f32 v25, v2  }
0x1f2: {  	v8 =	vld [tilespmem:s31+$0x500];
	v3 =	vadd.f32 v28, v3;
	v4 =	vadd.f32 v9, v4  }
0x1f3: {  	v9 =	vld [tilespmem:s31+$0xA10];
	v5 =	vadd.f32 v10, v5;
	v2 =	vadd.f32 v27, v2  }
0x1f4: {  	v10 =	vld [tilespmem:s31+$0x780];
	v3 =	vadd.f32 v30, v3;
	v4 =	vadd.f32 v6, v4  }
0x1f5: {  	v5 =	vadd.f32 v11, v5;
	v11 =	vld [tilespmem:s31+$0xC90];
	v6 =	vadd.f32 v29, v2  }
0x1f6: {  	v63 =	vld [tilespmem:s31+$0xA00];
	v3 =	vadd.f32 v32, v3;
	v4 =	vadd.f32 v7, v4  }
0x1f7: {  	v2 =	vld [tilespmem:s31+$0xF10];
	v5 =	vadd.f32 v8, v5;
	v6 =	vadd.f32 v31, v6  }
0x1f8: {  	s1 =	simm.s32 $0x13E30;
	v7 =	vadd.f32 v33, v3;
	v3 =	vld [tilespmem:s31+$0xC80];
	v8 =	vadd.f32 v9, v4  }
0x1f9: {  	v4 =	vld [tilespmem:s31+$0x1190];
	v5 =	vadd.f32 v10, v5;
	[tilespmem:s1+$0x0] =	vst v6  }
0x1fa: {  	v6 =	vld [tilespmem:s31+$0xF00];
	[tilespmem:s1+$0xFFFFFFF0] =	vst v7;
	v7 =	vadd.f32 v11, v8  }
0x1fb: {  	s30 =	simm.s32 $0x2;
	v8 =	vadd.f32 v63, v5;
	v5 =	vld [tilespmem:s31+$0x1180];
	s31 =	simm.s32 $0x12A60  }
.LBB2_10:
0x1fc: {  	v9 =	vld [tilespmem:s31+$0xFFFFEC10];
	v2 =	vadd.f32 v2, v7  }
0x1fd: {  	s30 =	sadd.s32 $0x2, s30;
	v7 =	vld [tilespmem:s31+$0xFFFFEE90];
	v3 =	vadd.f32 v3, v8  }
0x1fe: {  	p0 =	slt.u32 s30, $0x26;
	v8 =	vld [tilespmem:s31+$0xFFFFEE80];
	v2 =	vadd.f32 v4, v2  }
0x1ff: {  	s1 =	sadd.s32 $0x20, s1;
	v4 =	vld [tilespmem:s31+$0xFFFFF110];
	v3 =	vadd.f32 v6, v3  }
0x200: {  	v6 =	vld [tilespmem:s31+$0xFFFFEC00];
	[tilespmem:s1+$0x0] =	vst v2  }
0x201: {  	v2 =	vld [tilespmem:s31+$0xFFFFF390];
	v3 =	vadd.f32 v5, v3  }
0x202: {  	v5 =	vld [tilespmem:s31+$0xFFFFF100];
	v7 =	vadd.f32 v7, v9  }
0x203: {  	v9 =	vld [tilespmem:s31+$0xFFFFF610];
	[tilespmem:s1+$0xFFFFFFF0] =	vst v3  }
0x204: {  	v3 =	vld [tilespmem:s31+$0xFFFFF380];
	v4 =	vadd.f32 v4, v7  }
0x205: {  	v6 =	vadd.f32 v8, v6;
	v7 =	vld [tilespmem:s31+$0xFFFFF890]  }
0x206: {  	v8 =	vld [tilespmem:s31+$0xFFFFF600];
	v2 =	vadd.f32 v2, v4  }
0x207: {  	v4 =	vadd.f32 v5, v6;
	v5 =	vld [tilespmem:s31+$0xFFFFFB10]  }
0x208: {  	v6 =	vld [tilespmem:s31+$0xFFFFF880];
	v2 =	vadd.f32 v9, v2  }
0x209: {  	v3 =	vadd.f32 v3, v4;
	v4 =	vld [tilespmem:s31+$0xFFFFFD90]  }
0x20a: {  	v9 =	vld [tilespmem:s31+$0xFFFFFB00];
	v2 =	vadd.f32 v7, v2  }
0x20b: {  	v3 =	vadd.f32 v8, v3;
	v7 =	vld [tilespmem:s31+$0x10]  }
0x20c: {  	v8 =	vld [tilespmem:s31+$0xFFFFFD80];
	v2 =	vadd.f32 v5, v2  }
0x20d: {  	v3 =	vadd.f32 v6, v3;
	v5 =	vld [tilespmem:s31+$0x290]  }
0x20e: {  	v6 =	vld [tilespmem:s31+$0x0];
	v2 =	vadd.f32 v4, v2  }
0x20f: {  	v3 =	vadd.f32 v9, v3;
	v4 =	vld [tilespmem:s31+$0x510]  }
0x210: {  	v9 =	vld [tilespmem:s31+$0x280];
	v2 =	vadd.f32 v7, v2  }
0x211: {  	v3 =	vadd.f32 v8, v3;
	v7 =	vld [tilespmem:s31+$0x790]  }
0x212: {  	v8 =	vld [tilespmem:s31+$0x500];
	v2 =	vadd.f32 v5, v2  }
0x213: {  	v3 =	vadd.f32 v6, v3;
	v5 =	vld [tilespmem:s31+$0xA10]  }
0x214: {  	v6 =	vld [tilespmem:s31+$0x780];
	v2 =	vadd.f32 v4, v2  }
0x215: {  	v3 =	vadd.f32 v9, v3;
	v9 =	vld [tilespmem:s31+$0xC90]  }
0x216: {  	v10 =	vld [tilespmem:s31+$0xA00];
	v4 =	vadd.f32 v7, v2  }
.Ltmp4:
0x217: {  	v7 =	vadd.f32 v8, v3;
	v2 =	vld [tilespmem:s31+$0xF10];
	(pc) =	sbr.rel @p0 .LBB2_10-.Ltmp4, $4  }
0x218: {  	v3 =	vld [tilespmem:s31+$0xC80];
	v5 =	vadd.f32 v5, v4  }
0x219: {  	v8 =	vadd.f32 v6, v7;
	v4 =	vld [tilespmem:s31+$0x1190]  }
0x21a: {  	v6 =	vld [tilespmem:s31+$0xF00];
	v7 =	vadd.f32 v9, v5  }
0x21b: {  	v8 =	vadd.f32 v10, v8;
	v5 =	vld [tilespmem:s31+$0x1180];
	s31 =	sadd.s32 $0x20, s31  }
0x21c: {  	_ = 	snop  }
0x21d: {  	v3 =	vadd.f32 v3, v8  }
0x21e: {  	v2 =	vadd.f32 v2, v7  }
0x21f: {  	v3 =	vadd.f32 v6, v3  }
0x220: {  	v2 =	vadd.f32 v4, v2  }
0x221: {  	s0 =	sadd.s32 $0x20, s1;
	s29 =	sadd.s32 $0x1, s29;
	v3 =	vadd.f32 v5, v3  }
0x222: {  	p0 =	sne.s32 s29, s16;
	[tilespmem:s0+$0x0] =	vst v2  }
.Ltmp5:
0x223: {  	[tilespmem:s0+$0xFFFFFFF0] =	vst v3;
	(pc) =	sbr.rel @p0 .LBB2_1-.Ltmp5, $4  }
0x224: {  	[hbm4b:s15+s2] =	stream.linear.scatter [tilespmem:s28], [sflag:$0x1], $0x280, $0x38;
	[tilespmem:$0x1B8A0] =	vst v63  }
0x225: {  	_ =	swait.ge [sflag:s17], $0x280  }
0x226: {  	[sflag:s17] =	ssyncset.done $0x0  }
0x227: {  	[sflag:s17] =	ssyncadd.s32 $0xFFFFFD80  }
0x228: {  	_ =	sfence.sel $0x180000  }
0x229: {  	[bflag:$0x0] =	sbarrier.arrive $0xFFFF  }
0x22a: {  	_ =	strace $0x90000047  }
0x22b: {  	s0 =	stileid.u32;
	[bflag:$0x2] =	sbarrier.arrive $0xFFFF  }
0x22c: {  	p0 =	sne.s32 s0, $0x0;
	s0 =	rddreg [dreg:$0x3]  }
0x22d: {  	s0 =	sadd.s32 @!p0 $0x100000, s0  }
0x22e: {  	[sflag:s0] =	ssyncadd.tile.s32 @!p0 $0x1;
	_ =	shalt  }
.Lfunc_end2:
_tile_overlayer_lowered:
.L_overlay_start_2:
0x22f: {  	(tag) =	ssettag $0x2  }
0x230: {  	s0 =	rddreg [dreg:$0x0];
	s2 =	stileid.u32  }
0x231: {  	s1 =	rddreg [dreg:$0x1];
	p0 =	sne.s32 s2, $0x0  }
0x232: {  	s3 =	rddreg [dreg:$0x2];
	[bflag:$0x3] =	sbarrier.arrive $0xFFFF;
	s2 =	simm.s32 @!p0 $0x1C01  }
0x233: {  	[timem:s3], [sflag:s2] =	dma.local @!p0 [hbm:s0], s1  }
0x234: {  	s0 =	simm.s32 @!p0 $0x1  }
0x235: {  	_ =	swait.ge @!p0 [sflag:s0], s1  }
0x236: {  	s1 =	ssub.s32 @!p0 $0x0, s1;
	[sflag:s0] =	ssyncset.done @!p0 $0x0  }
0x237: {  	[sflag:s0] =	ssyncadd.s32 @!p0 s1  }
0x238: {  	[bflag:$0x3] =	sbarrier.arrive $0xFFFF  }
0x239: {  	_ =	shalt  }

// kernel: kernel.8.cloned.1.call-start
scs
__scs_entry_jumppad:
0x0: {  	(pc) =	sbr.rel $0x88, $3  }
0x1: {  	(tag) =	ssettag $0x0;
	lr =	simm.s32 $0x1  }
0x2: {  	[smem:$0x3F98] =	sst lr;
	_ =	strace $0xD0000000  }
0x3: {  	_ = 	snop  }
0x4: {  	_ = 	snop  }
0x5: {  	_ = 	snop  }
0x6: {  	_ = 	snop  }
0x7: {  	_ = 	snop  }
__scs_overlays_trampoline_lowered:
0x8: {  	[smem:$0x3FA7] =	sst s0  }
0x9: {  	[smem:$0x3FA8] =	sst s1  }
0xa: {  	[smem:$0x3FA9] =	sst s2  }
0xb: {  	[smem:$0x3FAA] =	sst s3  }
0xc: {  	[smem:$0x3FAB] =	sst s4  }
0xd: {  	[smem:$0x3FAC] =	sst s5  }
0xe: {  	[smem:$0x3FAD] =	sst s6  }
0xf: {  	[smem:$0x3FAE] =	sst s7  }
0x10: {  	[smem:$0x3FAF] =	sst s8  }
0x11: {  	[smem:$0x3FB0] =	sst s9;
	s0 =	simm.s32 @!p0 $0x0  }
0x12: {  	s1 =	sld [smem:$0x3F96];
	s0 =	simm.s32 @p0 $0x1  }
0x13: {  	[smem:$0x3FB1] =	sst s0;
	s0 =	simm.s32 @!p1 $0x0  }
0x14: {  	s2 =	sld [smem:$0x3F95];
	s0 =	simm.s32 @p1 $0x1  }
0x15: {  	[smem:$0x3FB2] =	sst s0;
	s0 =	simm.s32 @!p2 $0x0  }
0x16: {  	s3 =	sld [smem:$0x3FDB];
	s0 =	simm.s32 @p2 $0x1  }
0x17: {  	s4 =	simm.s32 $0x1BF5;
	[smem:$0x3FB4] =	sst s0  }
0x18: {  	s0 =	sld [smem:$0x3F97];
	_ =	swait.ge [sflag:s4], $0x0  }
0x19: {  	s7 =	sld [smem:$0x3F98]  }
0x1a: {  	s8 =	sadd.s32 $0xFFFFE003, lr  }
0x1b: {  	s9 =	sadd.s32 $0xFFFFFEF7, lr;
	s5 =	simm.s32 $0xFFFFFFFF;
	p2 =	slt.u32 s8, $0xFFFFF086  }
0x1c: {  	p1 =	slt.u32 s9, $0xF7A;
	s5 =	simm.s32 @!p2 $0x0  }
0x1d: {  	s5 =	simm.s32 @p1 $0x1;
	p0 =	seq.s32 s7, s2  }
0x1e: {  	s7 =	smul.u32 @!p0 $0xF7A, s2;
	p2 =	seq.s32 @!p0 s5, $0x0  }
0x1f: {  	s9 =	smul.u32 $0xF7A, s1;
	s8 =	simm.s32 @!p0 $0x1BF5;
	p2 =	por !p2, p0  }
0x20: {  	[sflag:s8] =	ssyncset.s32 @!p0 $0xFFFFF086;
	s6 =	sadd.s32 @!p0 s3, s7;
	s7 =	simm.s32 @!p0 $0x108  }
0x21: {  	s3 =	sadd.s32 s3, s9;
	s6 =	sadd.s32 @!p0 $0x88, s6;
	s7 =	simm.s32 @p2 $0x1082  }
0x22: {  	[simem:s7], [sflag:s8] =	dma.local @!p0 [hbm:s6], $0xF7A  }
0x23: {  	s9 =	sor.u32 $0xD0000000, s2;
	s6 =	simm.s32 $0x108;
	_ =	swait.ge @!p0 [sflag:s8], $0x0  }
0x24: {  	s3 =	sadd.s32 $0x88, s3;
	s6 =	simm.s32 @!p1 $0x1082;
	[sflag:s4] =	ssyncset.s32 $0xFFFFF086  }
0x25: {  	[simem:s6], [sflag:s4] =	dma.local [hbm:s3], $0xF7A  }
0x26: {  	[smem:$0x3F98] =	sst s1;
	(tag) =	ssettag s2;
	_ =	strace s9  }
0x27: {  	s1 =	sld [smem:$0x3FA8]  }
0x28: {  	s2 =	sld [smem:$0x3FA9]  }
0x29: {  	s4 =	sld [smem:$0x3FAB]  }
0x2a: {  	p0 =	seq.s32 s5, $0x0;
	s5 =	sld [smem:$0x3FAC]  }
0x2b: {  	s6 =	sld [smem:$0x3FAD]  }
0x2c: {  	s7 =	sld [smem:$0x3FAE]  }
0x2d: {  	s3 =	simm.s32 $0x108;
	s8 =	sld [smem:$0x3FAF]  }
0x2e: {  	s3 =	simm.s32 @!p0 $0x1082;
	s9 =	sld [smem:$0x3FB0]  }
0x2f: {  	lr =	sadd.s32 s0, s3;
	s0 =	sld [smem:$0x3FA7]  }
0x30: {  	s3 =	sld [smem:$0x3FAA]  }
0x31: {  	[smem:$0x3FB3] =	sst s10  }
0x32: {  	s10 =	sld [smem:$0x3FB1];
	_ =	sdelay $0x3  }
0x33: {  	p0 =	seq.s32 s10, $0x1;
	s10 =	sld [smem:$0x3FB3];
	_ =	sdelay $0x3  }
0x34: {  	[smem:$0x3FB3] =	sst s10  }
0x35: {  	s10 =	sld [smem:$0x3FB2];
	_ =	sdelay $0x3  }
0x36: {  	p1 =	seq.s32 s10, $0x1;
	s10 =	sld [smem:$0x3FB3];
	_ =	sdelay $0x3  }
0x37: {  	[smem:$0x3FB3] =	sst s10  }
0x38: {  	s10 =	sld [smem:$0x3FB4]  }
0x39: {  	_ = 	snop;
	(pc) =	sbr.ind lr, $3  }
0x3a: {  	_ = 	snop  }
0x3b: {  	_ = 	snop  }
0x3c: {  	p2 =	seq.s32 s10, $0x1;
	s10 =	sld [smem:$0x3FB3]  }
0x3d: {  	_ =	shalt  }
0x3e: {  	_ =	shalt  }
0x3f: {  	_ =	shalt  }
0x40: {  	_ =	shalt  }
0x41: {  	_ =	shalt  }
0x42: {  	_ =	shalt  }
0x43: {  	_ =	shalt  }
0x44: {  	_ =	shalt  }
0x45: {  	_ =	shalt  }
0x46: {  	_ =	shalt  }
0x47: {  	_ =	shalt  }
0x48: {  	_ =	shalt  }
0x49: {  	_ =	shalt  }
0x4a: {  	_ =	shalt  }
0x4b: {  	_ =	shalt  }
0x4c: {  	_ =	shalt  }
0x4d: {  	_ =	shalt  }
0x4e: {  	_ =	shalt  }
0x4f: {  	_ =	shalt  }
0x50: {  	_ =	shalt  }
0x51: {  	_ =	shalt  }
0x52: {  	_ =	shalt  }
0x53: {  	_ =	shalt  }
0x54: {  	_ =	shalt  }
0x55: {  	_ =	shalt  }
0x56: {  	_ =	shalt  }
0x57: {  	_ =	shalt  }
0x58: {  	_ =	shalt  }
0x59: {  	_ =	shalt  }
0x5a: {  	_ =	shalt  }
0x5b: {  	_ =	shalt  }
0x5c: {  	_ =	shalt  }
0x5d: {  	_ =	shalt  }
0x5e: {  	_ =	shalt  }
0x5f: {  	_ =	shalt  }
0x60: {  	_ =	shalt  }
0x61: {  	_ =	shalt  }
0x62: {  	_ =	shalt  }
0x63: {  	_ =	shalt  }
0x64: {  	_ =	shalt  }
0x65: {  	_ =	shalt  }
0x66: {  	_ =	shalt  }
0x67: {  	_ =	shalt  }
0x68: {  	_ =	shalt  }
0x69: {  	_ =	shalt  }
0x6a: {  	_ =	shalt  }
0x6b: {  	_ =	shalt  }
0x6c: {  	_ =	shalt  }
0x6d: {  	_ =	shalt  }
0x6e: {  	_ =	shalt  }
0x6f: {  	_ =	shalt  }
0x70: {  	_ =	shalt  }
0x71: {  	_ =	shalt  }
0x72: {  	_ =	shalt  }
0x73: {  	_ =	shalt  }
0x74: {  	_ =	shalt  }
0x75: {  	_ =	shalt  }
0x76: {  	_ =	shalt  }
0x77: {  	_ =	shalt  }
0x78: {  	_ =	shalt  }
0x79: {  	_ =	shalt  }
0x7a: {  	_ =	shalt  }
0x7b: {  	_ =	shalt  }
0x7c: {  	_ =	shalt  }
0x7d: {  	_ =	shalt  }
0x7e: {  	_ =	shalt  }
0x7f: {  	_ =	shalt  }
0x80: {  	_ =	shalt  }
0x81: {  	_ =	shalt  }
0x82: {  	_ =	shalt  }
0x83: {  	_ =	shalt  }
0x84: {  	_ =	shalt  }
0x85: {  	_ =	shalt  }
0x86: {  	_ =	shalt  }
0x87: {  	_ =	shalt  }
.Lfunc_end0:
.L_simem_size_0:
called_computation.1_lowered:
.L_overlay_start_0:
0x88: {  	s2 =	sld [smem:$0x3FD9]  }
0x89: {  	s3 =	sld [smem:$0x3FFE];
	_ =	sdelay $0x1  }
0x8a: {  	s1 =	srdreg.scid  }
0x8b: {  	s0 =	sand.u32 $0x1, s1  }
0x8c: {  	s17 =	sshll.u32 s0, $0xA;
	s2 =	sadd.s32 s3, s2  }
0x8d: {  	s2 =	sadd.s32 s2, s17  }
0x8e: {  	[smem:$0x3FBF] =	sst s2  }
0x8f: {  	_ = 	snop  }
0x90: {  	s2 =	sld [smem:$0x3FD0];
	(tm) =	ssettm $0x1  }
0x91: {  	s18 =	sld [smem:$0x3FFB];
	_ =	sdelay $0x3  }
0x92: {  	_ =	strace s18  }
0x93: {  	s3 =	sld [smem:$0x3FFC];
	_ =	sdelay $0x3  }
0x94: {  	_ =	strace s3  }
0x95: {  	s3 =	sld [smem:$0x3FFD];
	_ =	sdelay $0x3  }
0x96: {  	_ =	strace s3  }
0x97: {  	_ =	strace $0x8FFFFFFF  }
0x98: {  	s19 =	sld [smem:$0x3FDB];
	_ =	sdelay $0x1  }
0x99: {  	s4 =	simm.s32 $_scs_section_size  }
0x9a: {  	s5 =	simm.s32 $_size__tile_overlayer_lowered;
	s6 =	simm.s32 $_tile_overlayer_lowered  }
0x9b: {  	s22 =	simm.s32 $0x1BFF;
	s21 =	sshll.u32 s6, $0x1;
	s3 =	sadd.s32 s4, s19  }
0x9c: {  	s7 =	simm.s32 $0x0;
	s20 =	sshll.u32 s5, $0x1;
	s5 =	sadd.s32 s21, s3  }
0x9d: {  	[timem:s7], [sflag:s22] =	dma.local [hbm:s5], s20  }
0x9e: {  	_ =	swait.ge [sflag:s22], s20  }
0x9f: {  	s4 =	ssub.s32 $0x0, s20;
	[sflag:s22] =	ssyncset.done $0x0  }
0xa0: {  	[sflag:s22] =	ssyncadd.s32 s4;
	_ =	sdelay $0x1  }
0xa1: {  	s23 =	simm.s32 $0x1B8B  }
0xa2: {  	_ =	swait.ge [sflag:s23], $0x1  }
0xa3: {  	[sflag:s23] =	ssyncset.done $0x0  }
0xa4: {  	s25 =	simm.s32 $0x1B8E;
	s24 =	sld [smem:$0x3FFE];
	[sflag:s23] =	ssyncadd.s32 $0xFFFFFFFF  }
0xa5: {  	s26 =	simm.s32 $execute0_lowered;
	[smem:$0x3FD2] =	sst s25  }
0xa6: {  	s5 =	sshll.u32 s26, $0x1;
	_ =	strace $0x80000049;
	[dreg:$0x1] =	wrdreg $0xFFFFFFFF  }
0xa7: {  	s28 =	simm.s32 $_size_execute0_lowered;
	s3 =	sadd.s32 s3, s5;
	[dreg:$0x0] =	wrdreg $0x0  }
0xa8: {  	s5 =	sshll.u32 s28, $0x1;
	[dreg:$0x2] =	wrdreg s3  }
0xa9: {  	[dreg:$0x3] =	wrdreg s5  }
0xaa: {  	[dreg:$0x4] =	wrdreg $0xC0  }
0xab: {  	_ =	task [dreg:s7], $0x5FFFF  }
0xac: {  	[dreg:$0x1] =	wrdreg $0xFFFFFFFF  }
0xad: {  	[dreg:$0x0] =	wrdreg $0x60  }
0xae: {  	[dreg:$0x2] =	wrdreg s2  }
0xaf: {  	[dreg:$0x3] =	wrdreg s24  }
0xb0: {  	[dreg:$0x4] =	wrdreg $0xDE300  }
0xb1: {  	[dreg:$0x5] =	wrdreg $0x9  }
0xb2: {  	_ =	task.clear_ibuf [dreg:s7], $0x6FFFF;
	_ =	strace $0x90000049  }
0xb3: {  	s29 =	simm.s32 $0x9;
	_ =	strace $0x8000004B  }
0xb4: {  	_ =	swait.ge [sflag:s29], $0x1  }
0xb5: {  	[sflag:s29] =	ssyncadd.s32 $0xFFFFFFFF  }
0xb6: {  	_ =	strace $0x9000004B  }
0xb7: {  	_ =	sfence  }
0xb8: {  	s30 =	sld [smem:$0x0];
	_ =	sdelay $0x2  }
0xb9: {  	s31 =	sshll.u32 s1, $0xD;
	s1 =	sshrl.u32 s1, $0x2  }
0xba: {  	s3 =	sand.u32 $0x4000, s31;
	s1 =	sadd.s32 s1, s30  }
0xbb: {  	s0 =	sor.u32 s3, s0;
	s1 =	sshll.u32 s1, $0x11  }
0xbc: {  	s0 =	sor.u32 s1, s0  }
0xbd: {  	s0 =	sadd.s32 $0x8F2B, s0  }
0xbe: {  	[sflag:s0] =	ssyncadd.remote.s32 $0x1  }
0xbf: {  	_ =	sfence.sel $0xFFFF  }
0xc0: {  	[dreg:$0x0] =	wrdreg $0xFFFFFFFF;
	(pc) =	sbr.abs _section_cstart, $3  }
0xc1: {  	[dreg:$0x1] =	wrdreg $0xFFFFFFFF  }
0xc2: {  	_ =	task.clear_ibuf [dreg:s7], $0x2FFFF;
	_ =	strace $0x9FFFFFFF  }
0xc3: {  	(tm) =	ssettm $0x7FFFFFFF  }
tec
execute0_lowered:
.L_overlay_start_1:
0x0: {  	(tag) =	ssettag $0x1  }
0x1: {  	s0 =	rddreg [dreg:$0x0]  }
0x2: {  	s1 =	rddreg [dreg:$0x1]  }
0x3: {  	s9 =	rddreg [dreg:$0x2]  }
0x4: {  	s5 =	stileid.u32;
	s2 =	srdreg.scid  }
0x5: {  	s3 =	simm.s32 $0x0;
	s15 =	simm.s32 $0x2800;
	s16 =	simm.s32 $0x1  }
0x6: {  	s17 =	simm.s32 $0xF00;
	s18 =	simm.s32 $0x1180;
	s19 =	simm.s32 $0x1400  }
0x7: {  	s20 =	simm.s32 $0x1680;
	s21 =	simm.s32 $0x6720;
	s22 =	simm.s32 $0x8F20  }
0x8: {  	s23 =	simm.s32 $0x1900;
	s24 =	simm.s32 $0x4010;
	s25 =	simm.s32 $0xB720  }
0x9: {  	s26 =	simm.s32 $0x0;
	s2 =	sand.u32 $0x1, s2;
	s4 =	sshll.u32 s5, $0x1  }
0xa: {  	s5 =	smul.u32 $0x280, s5;
	[smem:$0x7FF] =	sst s3;
	s4 =	sor.u32 s2, s4  }
0xb: {  	_ =	strace $0x8000004A;
	s2 =	ssub.s32 $0x2, s2;
	s4 =	smul.u32 $0x4E2, s4  }
0xc: {  	s6 =	sshrl.u32 s5, $0x3;
	s31 =	sshrl.u32 s2, $0x1;
	s5 =	sadd.s32 s5, s9  }
0xd: {  	s9 =	sadd.s32 $0x2800, s9;
	s7 =	sadd.s32 s6, s1;
	s2 =	ssub.s32 s2, s31  }
0xe: {  	s8 =	sadd.s32 $0x2800, s5;
	s1 =	sadd.s32 s4, s1;
	s4 =	sadd.s32 s0, s6  }
0xf: {  	s6 =	sadd.s32 $0x16800, s7;
	s7 =	sadd.s32 $0x16E00, s7;
	s13 =	smax.u32 s2, $0x1  }
0x10: {  	s10 =	sadd.s32 $0x2000, s1;
	s11 =	sadd.s32 $0xBE00, s1;
	s12 =	sadd.s32 $0x17400, s1  }
.LBB2_1:
0x11: {  	s0 =	simm.s32 $0x280  }
0x12: {  	[tilespmem:s3], [sflag:$0x1] =	stream.strided.gather [hbm4b:s4+s0], $0xF00, s15, s0, $0x38;
	[tilespmem:$0xE330] =	vst v63  }
0x13: {  	_ =	swait.ge [sflag:s16], $0xF00  }
0x14: {  	[sflag:s16] =	ssyncset.done $0x0  }
0x15: {  	[sflag:s16] =	ssyncadd.s32 $0xFFFFF100  }
0x16: {  	[tilespmem:s17], [sflag:$0x1] =	stream.linear.gather [hbm4b:s6+s3], $0x280, $0x38;
	[tilespmem:$0xE330] =	vst v63  }
0x17: {  	_ =	swait.ge [sflag:s16], $0x280  }
0x18: {  	[sflag:s16] =	ssyncset.done $0x0  }
0x19: {  	[sflag:s16] =	ssyncadd.s32 $0xFFFFFD80  }
0x1a: {  	[tilespmem:s18], [sflag:$0x1] =	stream.linear.gather [hbm4b:s7+s3], $0x280, $0x38;
	[tilespmem:$0xE330] =	vst v63  }
0x1b: {  	_ =	swait.ge [sflag:s16], $0x280  }
0x1c: {  	[sflag:s16] =	ssyncset.done $0x0  }
0x1d: {  	s0 =	simm.s32 $0x780;
	[sflag:s16] =	ssyncadd.s32 $0xFFFFFD80  }
0x1e: {  	v0 =	vld [tilespmem:s0+$0xFFFFFD90]  }
0x1f: {  	v1 =	vld [tilespmem:s0+$0x510];
	_ =	sdelay $0x4  }
0x20: {  	v2 =	vld [tilespmem:s0+$0x500];
	v0 =	vadd.f32 v1, v0  }
0x21: {  	v3 =	vld [tilespmem:s0+$0xFFFFFD80]  }
0x22: {  	v0 =	vmax.f32 v0, $1.000000000e+00  }
0x23: {  	(erf) = vrcp.f32 v0;
	_ =	sdelay $0x1  }
0x24: {  	v1 =	vld [tilespmem:s0+$0xFFFFF890]  }
0x25: {  	v0 =	vadd.f32 v2, v3;
	v2 =	vld [tilespmem:s0+$0x10]  }
0x26: {  	s28 =	simm.s32 $0x7A0  }
0x27: {  	v4 =	vld [tilespmem:s28+$0xFFFFFD90];
	v0 =	vmax.f32 v0, $1.000000000e+00  }
0x28: {  	s1 =	simm.s32 $0xF10;
	v5 =	vld [tilespmem:s28+$0x510];
	(erf) = vrcp.f32 v0  }
0x29: {  	v0 =	vld [tilespmem:s1+$0x0]  }
0x2a: {  	v6 =	vld [tilespmem:s0+$0x0];
	v1 =	vadd.f32 v2, v1  }
0x2b: {  	v3 =	vld [tilespmem:s0+$0xFFFFF880];
	v2 =	vpop (erf)  }
0x2c: {  	v1 =	vmul.f32 v2, v1  }
0x2d: {  	v7 =	vld [tilespmem:s28+$0x500]  }
0x2e: {  	v8 =	vld [tilespmem:s28+$0xFFFFFD80];
	v0 =	vadd.f32 v1, v0;
	v1 =	vadd.f32 v5, v4  }
0x2f: {  	s14 =	simm.s32 $0x1410;
	v4 =	vld [tilespmem:s1+$0xFFFFFFF0]  }
0x30: {  	v3 =	vadd.f32 v6, v3;
	[tilespmem:s14+$0x0] =	vst v0;
	v0 =	vmax.f32 v1, $1.000000000e+00  }
0x31: {  	v9 =	vpop (erf);
	(erf) = vrcp.f32 v0  }
0x32: {  	v1 =	vmul.f32 v9, v3  }
0x33: {  	v0 =	vld [tilespmem:s28+$0xFFFFF890]  }
0x34: {  	s29 =	simm.s32 $0x7C0;
	v1 =	vadd.f32 v1, v4;
	v4 =	vadd.f32 v7, v8;
	v7 =	vld [tilespmem:s28+$0x10]  }
0x35: {  	v12 =	vld [tilespmem:s29+$0xFFFFFD90]  }
0x36: {  	v6 =	vld [tilespmem:s28+$0x0]  }
0x37: {  	v5 =	vld [tilespmem:s28+$0xFFFFF880];
	[tilespmem:s14+$0xFFFFFFF0] =	vst v1;
	v1 =	vmax.f32 v4, $1.000000000e+00;
	s14 =	simm.s32 $0xF30  }
0x38: {  	(erf) = vrcp.f32 v1;
	v11 =	vld [tilespmem:s14+$0x0]  }
0x39: {  	v3 =	vld [tilespmem:s0+$0xFFFFFB10];
	v0 =	vadd.f32 v7, v0  }
0x3a: {  	v10 =	vld [tilespmem:s0+$0x290];
	v1 =	vpop (erf)  }
0x3b: {  	v13 =	vld [tilespmem:s29+$0x510];
	v0 =	vmul.f32 v1, v0  }
0x3c: {  	s2 =	simm.s32 $0x1190;
	v14 =	vld [tilespmem:s29+$0xFFFFFD80]  }
0x3d: {  	v8 =	vld [tilespmem:s2+$0x0];
	v0 =	vadd.f32 v0, v11  }
0x3e: {  	v7 =	vld [tilespmem:s29+$0x500]  }
0x3f: {  	v5 =	vadd.f32 v6, v5;
	v6 =	vadd.f32 v10, v3;
	v11 =	vld [tilespmem:s14+$0xFFFFFFF0]  }
0x40: {  	s30 =	simm.s32 $0x1430;
	v15 =	vld [tilespmem:s29+$0xFFFFF880]  }
0x41: {  	v16 =	vld [tilespmem:s29+$0x0];
	v2 =	vmul.f32 v6, v2;
	[tilespmem:s30+$0x0] =	vst v0;
	v0 =	vpop (erf)  }
0x42: {  	v12 =	vadd.f32 v13, v12;
	v4 =	vld [tilespmem:s0+$0xFFFFFB00];
	v5 =	vmul.f32 v0, v5  }
0x43: {  	v17 =	vld [tilespmem:s0+$0x280];
	v8 =	vadd.f32 v2, v8  }
0x44: {  	v2 =	vmax.f32 v12, $1.000000000e+00;
	v18 =	vld [tilespmem:s28+$0xFFFFFB10];
	v5 =	vadd.f32 v5, v11;
	v11 =	vadd.f32 v7, v14  }
0x45: {  	(erf) = vrcp.f32 v2;
	v10 =	vld [tilespmem:s28+$0x290]  }
0x46: {  	v3 =	vld [tilespmem:s2+$0xFFFFFFF0];
	v11 =	vmax.f32 v11, $1.000000000e+00  }
0x47: {  	v6 =	vld [tilespmem:s29+$0xFFFFF890];
	(erf) = vrcp.f32 v11  }
0x48: {  	s31 =	simm.s32 $0x1690;
	s0 =	simm.s32 $0x11B0;
	v63 =	vadd.f32 v17, v4;
	v7 =	vld [tilespmem:s29+$0x10]  }
0x49: {  	s1 =	simm.s32 $0xF50;
	[tilespmem:s31+$0x0] =	vst v8;
	v4 =	vld [tilespmem:s0+$0x0]  }
0x4a: {  	v8 =	vld [tilespmem:s1+$0x0];
	v9 =	vmul.f32 v63, v9;
	v10 =	vadd.f32 v10, v18;
	[tilespmem:s30+$0xFFFFFFF0] =	vst v5  }
0x4b: {  	s2 =	simm.s32 $0x4;
	s14 =	simm.s32 $0x7E0;
	v5 =	vadd.f32 v16, v15;
	v2 =	vld [tilespmem:s28+$0xFFFFFB00]  }
.LBB2_2:
0x4c: {  	v11 =	vld [tilespmem:s14+$0xFFFFFD90];
	v10 =	vmul.f32 v10, v1;
	v3 =	vadd.f32 v9, v3  }
0x4d: {  	v9 =	vld [tilespmem:s14+$0x510];
	v6 =	vadd.f32 v7, v6  }
0x4e: {  	s2 =	sadd.s32 $0x2, s2;
	v7 =	vld [tilespmem:s14+$0x500];
	v1 =	vpop (erf);
	v4 =	vadd.f32 v10, v4;
	[tilespmem:s31+$0xFFFFFFF0] =	vst v3  }
0x4f: {  	p0 =	slt.u32 s2, $0x26;
	s31 =	sadd.s32 $0x20, s31;
	v3 =	vld [tilespmem:s14+$0xFFFFFD80];
	v6 =	vmul.f32 v1, v6  }
0x50: {  	v10 =	vld [tilespmem:s14+$0xFFFFF880];
	v12 =	vpop (erf);
	[tilespmem:s31+$0x0] =	vst v4  }
0x51: {  	v4 =	vld [tilespmem:s14+$0x0];
	v13 =	vmul.f32 v12, v5;
	v5 =	vadd.f32 v6, v8  }
0x52: {  	s30 =	sadd.s32 $0x20, s30;
	v6 =	vadd.f32 v9, v11;
	v8 =	vld [tilespmem:s1+$0xFFFFFFF0]  }
0x53: {  	[tilespmem:s30+$0x0] =	vst v5;
	v9 =	vld [tilespmem:s28+$0x280];
	s28 =	smov.u32 s29;
	s29 =	smov.u32 s14  }
0x54: {  	v3 =	vadd.f32 v7, v3;
	v5 =	vmax.f32 v6, $1.000000000e+00;
	v11 =	vld [tilespmem:s28+$0xFFFFFB10]  }
0x55: {  	(erf) = vrcp.f32 v5;
	v14 =	vld [tilespmem:s28+$0x290]  }
0x56: {  	v7 =	vmax.f32 v3, $1.000000000e+00;
	v5 =	vadd.f32 v4, v10;
	v3 =	vld [tilespmem:s0+$0xFFFFFFF0]  }
.Ltmp0:
0x57: {  	v6 =	vld [tilespmem:s14+$0xFFFFF890];
	(erf) = vrcp.f32 v7;
	v4 =	vadd.f32 v13, v8;
	(pc) =	sbr.rel @p0 .LBB2_2-.Ltmp0, $4  }
0x58: {  	s0 =	sadd.s32 $0x20, s0;
	v7 =	vld [tilespmem:s14+$0x10];
	v8 =	vadd.f32 v9, v2  }
0x59: {  	[tilespmem:s30+$0xFFFFFFF0] =	vst v4;
	v4 =	vld [tilespmem:s0+$0x0]  }
0x5a: {  	s1 =	sadd.s32 $0x20, s1;
	v2 =	vld [tilespmem:s28+$0xFFFFFB00];
	v10 =	vadd.f32 v14, v11;
	v9 =	vmul.f32 v8, v0;
	v0 =	vmov v12  }
0x5b: {  	s14 =	sadd.s32 $0x20, s14;
	v8 =	vld [tilespmem:s1+$0x0]  }
0x5c: {  	_ = 	snop  }
0x5d: {  	v6 =	vadd.f32 v7, v6  }
0x5e: {  	v11 =	vld [tilespmem:s1+$0xFFFFFFF0];
	v7 =	vpop (erf)  }
0x5f: {  	v6 =	vmul.f32 v7, v6  }
0x60: {  	v12 =	vpop (erf)  }
0x61: {  	v5 =	vmul.f32 v12, v5;
	v6 =	vadd.f32 v6, v8  }
0x62: {  	s14 =	sadd.s32 $0x20, s30  }
0x63: {  	[tilespmem:s14+$0x0] =	vst v6;
	v6 =	vld [tilespmem:s28+$0x280];
	v5 =	vadd.f32 v5, v11  }
0x64: {  	v8 =	vld [tilespmem:s29+$0xFFFFFB10]  }
0x65: {  	v56 =	vld [tilespmem:s29+$0x290];
	[tilespmem:s14+$0xFFFFFFF0] =	vst v5  }
0x66: {  	v5 =	vld [tilespmem:s29+$0xFFFFFB00]  }
0x67: {  	v13 =	vld [tilespmem:s29+$0x280];
	_ =	sdelay $0x1  }
0x68: {  	v14 =	vld [tilespmem:s0+$0xFFFFFFF0];
	s1 =	sadd.s32 $0x20, s0  }
0x69: {  	v2 =	vadd.f32 v6, v2;
	v6 =	vld [tilespmem:s1+$0x0]  }
0x6a: {  	v1 =	vmul.f32 v10, v1;
	v57 =	vld [tilespmem:s1+$0xFFFFFFF0];
	v8 =	vadd.f32 v56, v8  }
0x6b: {  	v3 =	vadd.f32 v9, v3;
	v0 =	vmul.f32 v2, v0;
	v2 =	vadd.f32 v13, v5  }
0x6c: {  	v1 =	vadd.f32 v1, v4;
	v4 =	vmul.f32 v8, v7  }
0x6d: {  	s2 =	sadd.s32 $0x20, s31;
	[tilespmem:s31+$0xFFFFFFF0] =	vst v3;
	v0 =	vadd.f32 v0, v14;
	v2 =	vmul.f32 v2, v12  }
0x6e: {  	[tilespmem:s2+$0x0] =	vst v1;
	v1 =	vadd.f32 v4, v6  }
0x6f: {  	s0 =	sadd.s32 $0x20, s2;
	[tilespmem:s2+$0xFFFFFFF0] =	vst v0;
	v0 =	vadd.f32 v2, v57  }
0x70: {  	[tilespmem:s0+$0x0] =	vst v1  }
0x71: {  	[tilespmem:s0+$0xFFFFFFF0] =	vst v0  }
0x72: {  	[spmem:s5] =	stream.linear.scatter [tilespmem:s19], [sflag:$0x1], $0x280, $0x38;
	[tilespmem:$0xE330] =	vst v63  }
0x73: {  	_ =	swait.ge [sflag:s16], $0x280  }
0x74: {  	[sflag:s16] =	ssyncset.done $0x0  }
0x75: {  	[sflag:s16] =	ssyncadd.s32 $0xFFFFFD80  }
0x76: {  	[spmem:s8] =	stream.linear.scatter [tilespmem:s20], [sflag:$0x1], $0x280, $0x38;
	[tilespmem:$0xE330] =	vst v63  }
0x77: {  	_ =	swait.ge [sflag:s16], $0x280  }
0x78: {  	[sflag:s16] =	ssyncset.done $0x0  }
0x79: {  	[sflag:s16] =	ssyncadd.s32 $0xFFFFFD80  }
0x7a: {  	[bflag:$0x0] =	sbarrier.arrive $0xFFFF  }
0x7b: {  	s14 =	rddreg [dreg:$0x2]  }
0x7c: {  	[tilespmem:s21], [sflag:$0x1] =	stream.linear.gather [spmem:s14], $0x2800, $0x38;
	[tilespmem:$0xE330] =	vst v63  }
0x7d: {  	_ =	swait.ge [sflag:s16], $0x2800  }
0x7e: {  	[sflag:s16] =	ssyncset.done $0x0  }
0x7f: {  	[sflag:s16] =	ssyncadd.s32 $0xFFFFD800  }
0x80: {  	[tilespmem:s22], [sflag:$0x1] =	stream.linear.gather [spmem:s9], $0x2800, $0x38;
	[tilespmem:$0xE330] =	vst v63  }
0x81: {  	_ =	swait.ge [sflag:s16], $0x2800  }
0x82: {  	[sflag:s16] =	ssyncset.done $0x0  }
0x83: {  	[sflag:s16] =	ssyncadd.s32 $0xFFFFD800  }
0x84: {  	[tilespmem:s23], [sflag:$0x1] =	stream.linear.gather [hbm4b:s10+s3], $0x2710, $0x38;
	[tilespmem:$0xE330] =	vst v63  }
0x85: {  	_ =	swait.ge [sflag:s16], $0x2710  }
0x86: {  	[sflag:s16] =	ssyncset.done $0x0  }
0x87: {  	[sflag:s16] =	ssyncadd.s32 $0xFFFFD8F0  }
0x88: {  	[tilespmem:s24], [sflag:$0x1] =	stream.linear.gather [hbm4b:s11+s3], $0x2710, $0x38;
	[tilespmem:$0xE330] =	vst v63  }
0x89: {  	_ =	swait.ge [sflag:s16], $0x2710  }
0x8a: {  	[sflag:s16] =	ssyncset.done $0x0  }
0x8b: {  	s31 =	simm.s32 $0x1940;
	[sflag:s16] =	ssyncadd.s32 $0xFFFFD8F0  }
0x8c: {  	s28 =	simm.s32 $0x4050;
	v0 =	vld [tilespmem:s31+$0x30]  }
0x8d: {  	v1 =	vld [tilespmem:s28+$0x30]  }
0x8e: {  	v2 =	vld [tilespmem:s28+$0xFFFFFFC0]  }
0x8f: {  	v3 =	vld [tilespmem:s31+$0xFFFFFFD0]  }
0x90: {  	v4 =	vld [tilespmem:s28+$0xFFFFFFD0]  }
0x91: {  	v5 =	vld [tilespmem:s31+$0xFFFFFFE0]  }
0x92: {  	v6 =	vld [tilespmem:s28+$0xFFFFFFE0]  }
0x93: {  	v7 =	vld [tilespmem:s31+$0xFFFFFFF0]  }
0x94: {  	v58 =	vld [tilespmem:s31+$0x0]  }
0x95: {  	v59 =	vld [tilespmem:s28+$0x0]  }
0x96: {  	v60 =	vld [tilespmem:s31+$0x10]  }
0x97: {  	v61 =	vld [tilespmem:s28+$0x10]  }
0x98: {  	v62 =	vld [tilespmem:s31+$0x20]  }
0x99: {  	v63 =	vld [tilespmem:s28+$0x20]  }
0x9a: {  	v15 =	vld [tilespmem:s31+$0xFFFFFFC0]  }
0x9b: {  	v8 =	vld.idx.msk [tilespmem:v0+s21+$0x0], $0xffff  }
0x9c: {  	v1 =	vld.idx.msk [tilespmem:v1+s22+$0x0], $0xffff  }
0x9d: {  	v0 =	vld [tilespmem:s28+$0xFFFFFFF0]  }
0x9e: {  	v16 =	vld.idx.msk [tilespmem:v2+s22+$0x0], $0xffff  }
0x9f: {  	v3 =	vld.idx.msk [tilespmem:v3+s21+$0x0], $0xffff  }
0xa0: {  	v4 =	vld.idx.msk [tilespmem:v4+s22+$0x0], $0xffff  }
0xa1: {  	v5 =	vld.idx.msk [tilespmem:v5+s21+$0x0], $0xffff  }
0xa2: {  	v6 =	vld.idx.msk [tilespmem:v6+s22+$0x0], $0xffff  }
0xa3: {  	v7 =	vld.idx.msk [tilespmem:v7+s21+$0x0], $0xffff  }
0xa4: {  	v15 =	vld.idx.msk [tilespmem:v15+s21+$0x0], $0xffff  }
0xa5: {  	v17 =	vld.idx.msk [tilespmem:v0+s22+$0x0], $0xffff  }
0xa6: {  	v2 =	vld.idx.msk [tilespmem:v59+s22+$0x0], $0xffff  }
0xa7: {  	v8 =	vadd.f32 v1, v8;
	v1 =	vld.idx.msk [tilespmem:v60+s21+$0x0], $0xffff  }
0xa8: {  	s29 =	simm.s32 $0xB760;
	v3 =	vadd.f32 v4, v3;
	v0 =	vld.idx.msk [tilespmem:v58+s21+$0x0], $0xffff  }
0xa9: {  	v5 =	vadd.f32 v6, v5;
	v4 =	vld.idx.msk [tilespmem:v61+s22+$0x0], $0xffff;
	[tilespmem:s29+$0x30] =	vst v8  }
0xaa: {  	[tilespmem:s29+$0xFFFFFFD0] =	vst v3;
	v3 =	vld.idx.msk [tilespmem:v62+s21+$0x0], $0xffff;
	v7 =	vadd.f32 v17, v7  }
0xab: {  	s30 =	simm.s32 $0x19C0;
	s0 =	simm.s32 $0x0;
	v6 =	vadd.f32 v16, v15;
	[tilespmem:s29+$0xFFFFFFE0] =	vst v5;
	v5 =	vld.idx.msk [tilespmem:v63+s22+$0x0], $0xffff  }
.LBB2_4:
0xac: {  	v8 =	vld [tilespmem:s30+$0x30];
	[tilespmem:s29+$0xFFFFFFF0] =	vst v7;
	s28 =	sadd.s32 $0x80, s28  }
0xad: {  	s0 =	sadd.s32 $0x8, s0;
	v0 =	vadd.f32 v2, v0;
	v7 =	vld [tilespmem:s28+$0x30];
	[tilespmem:s29+$0xFFFFFFC0] =	vst v6  }
0xae: {  	p0 =	slt.u32 s0, $0x268;
	v2 =	vld [tilespmem:s28+$0xFFFFFFC0]  }
0xaf: {  	v6 =	vld [tilespmem:s30+$0xFFFFFFD0];
	[tilespmem:s29+$0x0] =	vst v0;
	v0 =	vadd.f32 v4, v1  }
0xb0: {  	v1 =	vld [tilespmem:s28+$0xFFFFFFD0]  }
0xb1: {  	v4 =	vld [tilespmem:s30+$0xFFFFFFE0];
	[tilespmem:s29+$0x10] =	vst v0;
	v0 =	vadd.f32 v5, v3  }
0xb2: {  	v3 =	vld [tilespmem:s28+$0xFFFFFFE0]  }
0xb3: {  	v5 =	vld [tilespmem:s30+$0xFFFFFFF0];
	[tilespmem:s29+$0x20] =	vst v0  }
0xb4: {  	v0 =	vld.idx.msk [tilespmem:v8+s21+$0x0], $0xffff  }
0xb5: {  	v7 =	vld.idx.msk [tilespmem:v7+s22+$0x0], $0xffff  }
0xb6: {  	v8 =	vld [tilespmem:s28+$0xFFFFFFF0]  }
0xb7: {  	v9 =	vld [tilespmem:s30+$0x0]  }
0xb8: {  	v10 =	vld [tilespmem:s28+$0x0]  }
0xb9: {  	v11 =	vld [tilespmem:s30+$0x10]  }
0xba: {  	v12 =	vld [tilespmem:s28+$0x10]  }
0xbb: {  	v0 =	vadd.f32 v7, v0;
	v13 =	vld [tilespmem:s30+$0x20]  }
0xbc: {  	s29 =	sadd.s32 $0x80, s29;
	v14 =	vld [tilespmem:s28+$0x20]  }
0xbd: {  	v7 =	vld [tilespmem:s30+$0xFFFFFFC0];
	[tilespmem:s29+$0x30] =	vst v0  }
0xbe: {  	v15 =	vld.idx.msk [tilespmem:v2+s22+$0x0], $0xffff  }
0xbf: {  	v0 =	vld.idx.msk [tilespmem:v6+s21+$0x0], $0xffff  }
0xc0: {  	v1 =	vld.idx.msk [tilespmem:v1+s22+$0x0], $0xffff  }
0xc1: {  	v4 =	vld.idx.msk [tilespmem:v4+s21+$0x0], $0xffff  }
0xc2: {  	v3 =	vld.idx.msk [tilespmem:v3+s22+$0x0], $0xffff  }
0xc3: {  	v5 =	vld.idx.msk [tilespmem:v5+s21+$0x0], $0xffff  }
0xc4: {  	v6 =	vld.idx.msk [tilespmem:v8+s22+$0x0], $0xffff  }
0xc5: {  	v8 =	vld.idx.msk [tilespmem:v7+s21+$0x0], $0xffff  }
0xc6: {  	v1 =	vadd.f32 v1, v0;
	v0 =	vld.idx.msk [tilespmem:v9+s21+$0x0], $0xffff  }
.Ltmp1:
0xc7: {  	v2 =	vld.idx.msk [tilespmem:v10+s22+$0x0], $0xffff;
	(pc) =	sbr.rel @p0 .LBB2_4-.Ltmp1, $4  }
0xc8: {  	v3 =	vadd.f32 v3, v4;
	[tilespmem:s29+$0xFFFFFFD0] =	vst v1;
	v1 =	vld.idx.msk [tilespmem:v11+s21+$0x0], $0xffff  }
0xc9: {  	v4 =	vld.idx.msk [tilespmem:v12+s22+$0x0], $0xffff  }
0xca: {  	v7 =	vadd.f32 v6, v5;
	[tilespmem:s29+$0xFFFFFFE0] =	vst v3;
	v3 =	vld.idx.msk [tilespmem:v13+s21+$0x0], $0xffff  }
0xcb: {  	s30 =	sadd.s32 $0x80, s30;
	v6 =	vadd.f32 v15, v8;
	v5 =	vld.idx.msk [tilespmem:v14+s22+$0x0], $0xffff  }
0xcc: {  	_ =	sdelay $0x1  }
0xcd: {  	[tilespmem:s29+$0xFFFFFFF0] =	vst v7;
	v0 =	vadd.f32 v2, v0  }
0xce: {  	[tilespmem:s29+$0xFFFFFFC0] =	vst v6;
	v1 =	vadd.f32 v4, v1  }
0xcf: {  	[tilespmem:s29+$0x0] =	vst v0;
	v63 =	vadd.f32 v5, v3  }
0xd0: {  	[tilespmem:s29+$0x10] =	vst v1  }
0xd1: {  	[tilespmem:s29+$0x20] =	vst v63  }
0xd2: {  	v0 =	vld [tilespmem:$0x4000]  }
0xd3: {  	v1 =	vld [tilespmem:$0x6710];
	_ =	sdelay $0x6  }
0xd4: {  	v0 =	vld.idx.msk [tilespmem:v0+s21+$0x0], $0xffff  }
0xd5: {  	v1 =	vld.idx.msk [tilespmem:v1+s22+$0x0], $0xffff;
	_ =	sdelay $0x4  }
0xd6: {  	s26 =	sadd.s32 $0x1, s26;
	v0 =	vadd.f32 v1, v0  }
0xd7: {  	p0 =	sne.s32 s26, s13  }
.Ltmp2:
0xd8: {  	[tilespmem:$0xDE20] =	vst v0;
	(pc) =	sbr.rel @p0 .LBB2_1-.Ltmp2, $4  }
0xd9: {  	[hbm4b:s12+s3] =	stream.linear.scatter [tilespmem:s25], [sflag:$0x1], $0x2710, $0x38;
	[tilespmem:$0xE330] =	vst v63  }
0xda: {  	_ =	swait.ge [sflag:s16], $0x2710  }
0xdb: {  	[sflag:s16] =	ssyncset.done $0x0  }
0xdc: {  	[sflag:s16] =	ssyncadd.s32 $0xFFFFD8F0  }
0xdd: {  	_ =	sfence.sel $0x180000  }
0xde: {  	[bflag:$0x0] =	sbarrier.arrive $0xFFFF  }
0xdf: {  	_ =	strace $0x9000004A  }
0xe0: {  	s0 =	stileid.u32;
	[bflag:$0x2] =	sbarrier.arrive $0xFFFF  }
0xe1: {  	p0 =	sne.s32 s0, $0x0;
	s0 =	rddreg [dreg:$0x3]  }
0xe2: {  	s0 =	sadd.s32 @!p0 $0x100000, s0  }
0xe3: {  	[sflag:s0] =	ssyncadd.tile.s32 @!p0 $0x1;
	_ =	shalt  }
.Lfunc_end2:
_tile_overlayer_lowered:
.L_overlay_start_2:
0xe4: {  	(tag) =	ssettag $0x2  }
0xe5: {  	s0 =	rddreg [dreg:$0x0];
	s2 =	stileid.u32  }
0xe6: {  	s1 =	rddreg [dreg:$0x1];
	p0 =	sne.s32 s2, $0x0  }
0xe7: {  	s3 =	rddreg [dreg:$0x2];
	[bflag:$0x3] =	sbarrier.arrive $0xFFFF;
	s2 =	simm.s32 @!p0 $0x1C01  }
0xe8: {  	[timem:s3], [sflag:s2] =	dma.local @!p0 [hbm:s0], s1  }
0xe9: {  	s0 =	simm.s32 @!p0 $0x1  }
0xea: {  	_ =	swait.ge @!p0 [sflag:s0], s1  }
0xeb: {  	s1 =	ssub.s32 @!p0 $0x0, s1;
	[sflag:s0] =	ssyncset.done @!p0 $0x0  }
0xec: {  	[sflag:s0] =	ssyncadd.s32 @!p0 s1  }
0xed: {  	[bflag:$0x3] =	sbarrier.arrive $0xFFFF  }
0xee: {  	_ =	shalt  }

</sc_bundles>
